<compile_context>
chip_gen: v7x
topology: tpu7x:2x2x1
jax: 0.10.2.dev20260603
libtpu: 0.0.44.dev20260713+nightly
codegen_flags: <defaults>
</compile_context>

<pallas_src>
import functools

import jax
import jax.numpy as jnp
from jax import lax
from jax.experimental import pallas as pl
from jax.experimental.pallas import tpu as pltpu
from jax.experimental.pallas import tpu_sc as plsc

B, T, V = 32, 16, 100000
W = 2
R = B // W
G = R * T
NIDX = 128
NG = G // NIDX

_LN2 = 0.6931471805599453
_SQRT2 = 1.4142135623730951


def _neg_ln_bits(bits):
    e = (bits >> 23) - 127
    m = 1.0 + (bits & 0x007FFFFF).astype(jnp.float32) * (2.0 ** -23)
    big = m > _SQRT2
    m = jnp.where(big, m * 0.5, m)
    e = jnp.where(big, e + 1, e)
    z = (m - 1.0) / (m + 1.0)
    z2 = z * z
    s = 1.0 / 7.0 + z2 * (1.0 / 9.0)
    s = 1.0 / 5.0 + z2 * s
    s = 1.0 / 3.0 + z2 * s
    s = 1.0 + z2 * s
    return -(e.astype(jnp.float32) * _LN2 + 2.0 * z * s)


@functools.partial(
    pl.kernel,
    mesh=plsc.VectorSubcoreMesh(core_axis_name="c", subcore_axis_name="s"),
    out_type=jax.ShapeDtypeStruct((B,), jnp.float32),
    scratch_types=[
        pltpu.VMEM((B * T,), jnp.int32),
        pltpu.VMEM((G,), jnp.int32),
        pltpu.VMEM((G,), jnp.int32),
        pltpu.VMEM((T,), jnp.float32),
        pltpu.SemaphoreType.DMA,
    ],
)
def _decoder_loss_sc(probs_hbm, atrg_hbm, out_hbm, a_v, idx_v, val_v, o_v, sem):
    cid = lax.axis_index("c")
    sid = lax.axis_index("s")
    wid = sid * 2 + cid

    @pl.when(wid < W)
    def _():
        pltpu.sync_copy(atrg_hbm, a_v)
        lanes = lax.iota(jnp.int32, 16)
        row_base = (wid * R + lanes) * T * V
        for t in range(T):
            a = a_v[pl.ds(t * B + wid * R, 16)]
            idx_v[pl.ds(t * 16, 16)] = row_base + t * V + a
        copies = [
            pltpu.async_copy(
                probs_hbm.at[idx_v.at[pl.ds(g * NIDX, NIDX)]],
                val_v.at[pl.ds(g * NIDX, NIDX)],
                sem,
            )
            for g in range(NG)
        ]
        for cp in copies:
            cp.wait()
        acc = jnp.zeros((16,), jnp.float32)
        nacc = jnp.zeros((16,), jnp.float32)
        for t in range(T):
            a = a_v[pl.ds(t * B + wid * R, 16)]
            pbits = val_v[pl.ds(t * 16, 16)]
            maskf = jnp.where((a != 0) & (a != 1), 1.0, 0.0).astype(jnp.float32)
            acc = acc + _neg_ln_bits(pbits) * maskf
            nacc = nacc + maskf
        o_v[...] = acc / nacc
        pltpu.sync_copy(o_v, out_hbm.at[pl.ds(wid * T, T)])


def kernel(probs, a_trg):
    probs_bits = lax.bitcast_convert_type(probs, jnp.int32)
    return _decoder_loss_sc(probs_bits.reshape(-1), a_trg.T.reshape(-1))

# --- scband reference (transcript-rebuilt; emitter-appended) ---
"""Pipeline reference for scband-decoder-loss-63161789055244 (READ-ONLY COPY).

The authoritative reference and input builder live on the scoring server;
editing this copy changes nothing except your own understanding.
"""

import jax, jax.numpy as jnp
import numpy as np

PAD_IDX = 0
UNK_IDX = 1


def setup_inputs(seed: int = 0) -> dict:
    key = jax.random.key(seed)
    k1, k2 = jax.random.split(key)
    # probabilities over extended vocab; keep strictly positive so log is finite
    probs = jax.random.uniform(k1, (32, 16, 100000), dtype=jnp.float32, minval=1e-6, maxval=1.0)
    a_trg = jax.random.randint(k2, (32, 16), 0, 100000, dtype=jnp.int32)
    return {"probs": probs, "a_trg": a_trg}


def reference(probs, a_trg):
    # mask out pad and unk tokens
    mask = (a_trg != PAD_IDX) & (a_trg != UNK_IDX)
    n_steps = mask.sum(axis=1).astype(probs.dtype)
    # gather the probability of the ground-truth token at each step
    target_probs = jnp.take_along_axis(probs, a_trg[:, :, None].astype(jnp.int32), axis=2)
    target_probs = jnp.squeeze(target_probs, axis=2)
    # masked positions contribute log(1) = 0
    target_probs = jnp.where(mask, target_probs, jnp.ones_like(target_probs))
    dec_loss = -jnp.log(target_probs).sum(axis=1) / n_steps
    return dec_loss

if __name__ == "__main__":
    import jax
    _d = setup_inputs()
    print(jax.jit(kernel)(*tuple(_d.values())))

</pallas_src>

<mosaic_0001>
#map = affine_map<(d0, d1) -> (0)>
module attributes {stable_mosaic.version = 14 : i64} {
  func.func @_decoder_loss_sc(%arg0: i32, %arg1: i32, %arg2: memref<51200000xi32, #tpu.memory_space<hbm>>, %arg3: memref<512xi32, #tpu.memory_space<hbm>>, %arg4: memref<32xf32, #tpu.memory_space<hbm>>, %arg5: memref<512xi32, #tpu.memory_space<vmem>>, %arg6: memref<256xi32, #tpu.memory_space<vmem>>, %arg7: memref<256xi32, #tpu.memory_space<vmem>>, %arg8: memref<16xf32, #tpu.memory_space<vmem>>, %arg9: memref<!tpu.dma_semaphore, #tpu.memory_space<semaphore_mem>>) attributes {dimension_semantics = [#tpu.dimension_semantics<core_parallel>, #tpu.dimension_semantics<subcore_parallel>], iteration_bounds = array<i64: 2, 16>, scalar_prefetch = 0 : i64, scratch_operands = 5 : i64, tpu.core_type = #tpu.core_type<sc_vector_subcore>, window_params = [{transform_indices = #map}, {transform_indices = #map}, {transform_indices = #map}]} {
    %mul3A = arith.constant 2 : i32
    %mul3A_0 = arith.muli %arg1, %mul3A : i32
    %add3A = arith.addi %mul3A_0, %arg0 : i32
    %lt3A = arith.constant 2 : i32
    %lt3A_1 = arith.cmpi slt, %add3A, %lt3A : i32
    %convert_element_type3A = arith.extui %lt3A_1 : i1 to i32
    %cond3A = arith.constant 0 : i32
    %cond3A_2 = arith.cmpi ne, %convert_element_type3A, %cond3A : i32
    scf.if %cond3A_2 {
      "tpu.region"() ({
        %run_scoped3A = tpu.sem_alloc : memref<!tpu.dma_semaphore, #tpu.memory_space<semaphore_mem>>
        tpu.enqueue_dma source(%arg3 : memref<512xi32, #tpu.memory_space<hbm>>) target(%arg5 : memref<512xi32, #tpu.memory_space<vmem>>) target_semaphore(%run_scoped3A : memref<!tpu.dma_semaphore, #tpu.memory_space<semaphore_mem>>)
        tpu.wait_dma2 semaphore(%run_scoped3A : memref<!tpu.dma_semaphore, #tpu.memory_space<semaphore_mem>>) src(%arg3 : memref<512xi32, #tpu.memory_space<hbm>>) dst(%arg5 : memref<512xi32, #tpu.memory_space<vmem>>)
        tpu.yield
      }) : () -> ()
      %iota3A = tpu.iota {dimensions = array<i32: 0>} : vector<16xi32>
      %mul3A_3 = arith.constant 16 : i32
      %mul3A_4 = arith.muli %add3A, %mul3A_3 : i32
      %add3A_5 = vector.broadcast %mul3A_4 : i32 to vector<16xi32>
      %add3A_6 = arith.addi %add3A_5, %iota3A : vector<16xi32>
      %mul3A_7 = arith.constant 16 : i32
      %mul3A_8 = vector.broadcast %mul3A_7 : i32 to vector<16xi32>
      %mul3A_9 = arith.muli %add3A_6, %mul3A_8 : vector<16xi32>
      %mul3A_10 = arith.constant 100000 : i32
      %mul3A_11 = vector.broadcast %mul3A_10 : i32 to vector<16xi32>
      %mul3A_12 = arith.muli %mul3A_9, %mul3A_11 : vector<16xi32>
      %mul3A_13 = arith.constant 16 : i32
      %mul3A_14 = arith.muli %add3A, %mul3A_13 : i32
      %add3A_15 = arith.constant 0 : i32
      %add3A_16 = arith.addi %add3A_15, %mul3A_14 : i32
      %get3A = arith.index_cast %add3A_16 : i32 to index
      %get3A_17 = tpu.vector_load %arg5[%get3A] {strides = array<i32>} : memref<512xi32, #tpu.memory_space<vmem>>, vector<16xi32>,
      %get3A_18 = vector.shape_cast %get3A_17 : vector<16xi32> to vector<16xi32>
      %add3A_19 = arith.constant 0 : i32
      %add3A_20 = vector.broadcast %add3A_19 : i32 to vector<16xi32>
      %add3A_21 = arith.addi %mul3A_12, %add3A_20 : vector<16xi32>
      %add3A_22 = arith.addi %add3A_21, %get3A_18 : vector<16xi32>
      %swap3A = arith.constant 0 : index
      %swap3A_23 = tpu.vector_load %arg6[%swap3A] {strides = array<i32>} : memref<256xi32, #tpu.memory_space<vmem>>, vector<16xi32>,
      %swap3A_24 = vector.shape_cast %swap3A_23 : vector<16xi32> to vector<16xi32>
      %swap3A_25 = vector.shape_cast %add3A_22 : vector<16xi32> to vector<16xi32>
      tpu.vector_store %arg6[%swap3A], %swap3A_25 {strides = array<i32>} : memref<256xi32, #tpu.memory_space<vmem>>, vector<16xi32>,
      %mul3A_26 = arith.constant 16 : i32
      %mul3A_27 = arith.muli %add3A, %mul3A_26 : i32
      %add3A_28 = arith.constant 32 : i32
      %add3A_29 = arith.addi %add3A_28, %mul3A_27 : i32
      %get3A_30 = arith.index_cast %add3A_29 : i32 to index
      %get3A_31 = tpu.vector_load %arg5[%get3A_30] {strides = array<i32>} : memref<512xi32, #tpu.memory_space<vmem>>, vector<16xi32>,
      %get3A_32 = vector.shape_cast %get3A_31 : vector<16xi32> to vector<16xi32>
      %add3A_33 = arith.constant 100000 : i32
      %add3A_34 = vector.broadcast %add3A_33 : i32 to vector<16xi32>
      %add3A_35 = arith.addi %mul3A_12, %add3A_34 : vector<16xi32>
      %add3A_36 = arith.addi %add3A_35, %get3A_32 : vector<16xi32>
      %swap3A_37 = arith.constant 16 : index
      %swap3A_38 = tpu.vector_load %arg6[%swap3A_37] {strides = array<i32>} : memref<256xi32, #tpu.memory_space<vmem>>, vector<16xi32>,
      %swap3A_39 = vector.shape_cast %swap3A_38 : vector<16xi32> to vector<16xi32>
      %swap3A_40 = vector.shape_cast %add3A_36 : vector<16xi32> to vector<16xi32>
      tpu.vector_store %arg6[%swap3A_37], %swap3A_40 {strides = array<i32>} : memref<256xi32, #tpu.memory_space<vmem>>, vector<16xi32>,
      %mul3A_41 = arith.constant 16 : i32
      %mul3A_42 = arith.muli %add3A, %mul3A_41 : i32
      %add3A_43 = arith.constant 64 : i32
      %add3A_44 = arith.addi %add3A_43, %mul3A_42 : i32
      %get3A_45 = arith.index_cast %add3A_44 : i32 to index
      %get3A_46 = tpu.vector_load %arg5[%get3A_45] {strides = array<i32>} : memref<512xi32, #tpu.memory_space<vmem>>, vector<16xi32>,
      %get3A_47 = vector.shape_cast %get3A_46 : vector<16xi32> to vector<16xi32>
      %add3A_48 = arith.constant 200000 : i32
      %add3A_49 = vector.broadcast %add3A_48 : i32 to vector<16xi32>
      %add3A_50 = arith.addi %mul3A_12, %add3A_49 : vector<16xi32>
      %add3A_51 = arith.addi %add3A_50, %get3A_47 : vector<16xi32>
      %swap3A_52 = arith.constant 32 : index
      %swap3A_53 = tpu.vector_load %arg6[%swap3A_52] {strides = array<i32>} : memref<256xi32, #tpu.memory_space<vmem>>, vector<16xi32>,
      %swap3A_54 = vector.shape_cast %swap3A_53 : vector<16xi32> to vector<16xi32>
      %swap3A_55 = vector.shape_cast %add3A_51 : vector<16xi32> to vector<16xi32>
      tpu.vector_store %arg6[%swap3A_52], %swap3A_55 {strides = array<i32>} : memref<256xi32, #tpu.memory_space<vmem>>, vector<16xi32>,
      %mul3A_56 = arith.constant 16 : i32
      %mul3A_57 = arith.muli %add3A, %mul3A_56 : i32
      %add3A_58 = arith.constant 96 : i32
      %add3A_59 = arith.addi %add3A_58, %mul3A_57 : i32
      %get3A_60 = arith.index_cast %add3A_59 : i32 to index
      %get3A_61 = tpu.vector_load %arg5[%get3A_60] {strides = array<i32>} : memref<512xi32, #tpu.memory_space<vmem>>, vector<16xi32>,
      %get3A_62 = vector.shape_cast %get3A_61 : vector<16xi32> to vector<16xi32>
      %add3A_63 = arith.constant 300000 : i32
      %add3A_64 = vector.broadcast %add3A_63 : i32 to vector<16xi32>
      %add3A_65 = arith.addi %mul3A_12, %add3A_64 : vector<16xi32>
      %add3A_66 = arith.addi %add3A_65, %get3A_62 : vector<16xi32>
      %swap3A_67 = arith.constant 48 : index
      %swap3A_68 = tpu.vector_load %arg6[%swap3A_67] {strides = array<i32>} : memref<256xi32, #tpu.memory_space<vmem>>, vector<16xi32>,
      %swap3A_69 = vector.shape_cast %swap3A_68 : vector<16xi32> to vector<16xi32>
      %swap3A_70 = vector.shape_cast %add3A_66 : vector<16xi32> to vector<16xi32>
      tpu.vector_store %arg6[%swap3A_67], %swap3A_70 {strides = array<i32>} : memref<256xi32, #tpu.memory_space<vmem>>, vector<16xi32>,
      %mul3A_71 = arith.constant 16 : i32
      %mul3A_72 = arith.muli %add3A, %mul3A_71 : i32
      %add3A_73 = arith.constant 128 : i32
      %add3A_74 = arith.addi %add3A_73, %mul3A_72 : i32
      %get3A_75 = arith.index_cast %add3A_74 : i32 to index
      %get3A_76 = tpu.vector_load %arg5[%get3A_75] {strides = array<i32>} : memref<512xi32, #tpu.memory_space<vmem>>, vector<16xi32>,
      %get3A_77 = vector.shape_cast %get3A_76 : vector<16xi32> to vector<16xi32>
      %add3A_78 = arith.constant 400000 : i32
      %add3A_79 = vector.broadcast %add3A_78 : i32 to vector<16xi32>
      %add3A_80 = arith.addi %mul3A_12, %add3A_79 : vector<16xi32>
      %add3A_81 = arith.addi %add3A_80, %get3A_77 : vector<16xi32>
      %swap3A_82 = arith.constant 64 : index
      %swap3A_83 = tpu.vector_load %arg6[%swap3A_82] {strides = array<i32>} : memref<256xi32, #tpu.memory_space<vmem>>, vector<16xi32>,
      %swap3A_84 = vector.shape_cast %swap3A_83 : vector<16xi32> to vector<16xi32>
      %swap3A_85 = vector.shape_cast %add3A_81 : vector<16xi32> to vector<16xi32>
      tpu.vector_store %arg6[%swap3A_82], %swap3A_85 {strides = array<i32>} : memref<256xi32, #tpu.memory_space<vmem>>, vector<16xi32>,
      %mul3A_86 = arith.constant 16 : i32
      %mul3A_87 = arith.muli %add3A, %mul3A_86 : i32
      %add3A_88 = arith.constant 160 : i32
      %add3A_89 = arith.addi %add3A_88, %mul3A_87 : i32
      %get3A_90 = arith.index_cast %add3A_89 : i32 to index
      %get3A_91 = tpu.vector_load %arg5[%get3A_90] {strides = array<i32>} : memref<512xi32, #tpu.memory_space<vmem>>, vector<16xi32>,
      %get3A_92 = vector.shape_cast %get3A_91 : vector<16xi32> to vector<16xi32>
      %add3A_93 = arith.constant 500000 : i32
      %add3A_94 = vector.broadcast %add3A_93 : i32 to vector<16xi32>
      %add3A_95 = arith.addi %mul3A_12, %add3A_94 : vector<16xi32>
      %add3A_96 = arith.addi %add3A_95, %get3A_92 : vector<16xi32>
      %swap3A_97 = arith.constant 80 : index
      %swap3A_98 = tpu.vector_load %arg6[%swap3A_97] {strides = array<i32>} : memref<256xi32, #tpu.memory_space<vmem>>, vector<16xi32>,
      %swap3A_99 = vector.shape_cast %swap3A_98 : vector<16xi32> to vector<16xi32>
      %swap3A_100 = vector.shape_cast %add3A_96 : vector<16xi32> to vector<16xi32>
      tpu.vector_store %arg6[%swap3A_97], %swap3A_100 {strides = array<i32>} : memref<256xi32, #tpu.memory_space<vmem>>, vector<16xi32>,
      %mul3A_101 = arith.constant 16 : i32
      %mul3A_102 = arith.muli %add3A, %mul3A_101 : i32
      %add3A_103 = arith.constant 192 : i32
      %add3A_104 = arith.addi %add3A_103, %mul3A_102 : i32
      %get3A_105 = arith.index_cast %add3A_104 : i32 to index
      %get3A_106 = tpu.vector_load %arg5[%get3A_105] {strides = array<i32>} : memref<512xi32, #tpu.memory_space<vmem>>, vector<16xi32>,
      %get3A_107 = vector.shape_cast %get3A_106 : vector<16xi32> to vector<16xi32>
      %add3A_108 = arith.constant 600000 : i32
      %add3A_109 = vector.broadcast %add3A_108 : i32 to vector<16xi32>
      %add3A_110 = arith.addi %mul3A_12, %add3A_109 : vector<16xi32>
      %add3A_111 = arith.addi %add3A_110, %get3A_107 : vector<16xi32>
      %swap3A_112 = arith.constant 96 : index
      %swap3A_113 = tpu.vector_load %arg6[%swap3A_112] {strides = array<i32>} : memref<256xi32, #tpu.memory_space<vmem>>, vector<16xi32>,
      %swap3A_114 = vector.shape_cast %swap3A_113 : vector<16xi32> to vector<16xi32>
      %swap3A_115 = vector.shape_cast %add3A_111 : vector<16xi32> to vector<16xi32>
      tpu.vector_store %arg6[%swap3A_112], %swap3A_115 {strides = array<i32>} : memref<256xi32, #tpu.memory_space<vmem>>, vector<16xi32>,
      %mul3A_116 = arith.constant 16 : i32
      %mul3A_117 = arith.muli %add3A, %mul3A_116 : i32
      %add3A_118 = arith.constant 224 : i32
      %add3A_119 = arith.addi %add3A_118, %mul3A_117 : i32
      %get3A_120 = arith.index_cast %add3A_119 : i32 to index
      %get3A_121 = tpu.vector_load %arg5[%get3A_120] {strides = array<i32>} : memref<512xi32, #tpu.memory_space<vmem>>, vector<16xi32>,
      %get3A_122 = vector.shape_cast %get3A_121 : vector<16xi32> to vector<16xi32>
      %add3A_123 = arith.constant 700000 : i32
      %add3A_124 = vector.broadcast %add3A_123 : i32 to vector<16xi32>
      %add3A_125 = arith.addi %mul3A_12, %add3A_124 : vector<16xi32>
      %add3A_126 = arith.addi %add3A_125, %get3A_122 : vector<16xi32>
      %swap3A_127 = arith.constant 112 : index
      %swap3A_128 = tpu.vector_load %arg6[%swap3A_127] {strides = array<i32>} : memref<256xi32, #tpu.memory_space<vmem>>, vector<16xi32>,
      %swap3A_129 = vector.shape_cast %swap3A_128 : vector<16xi32> to vector<16xi32>
      %swap3A_130 = vector.shape_cast %add3A_126 : vector<16xi32> to vector<16xi32>
      tpu.vector_store %arg6[%swap3A_127], %swap3A_130 {strides = array<i32>} : memref<256xi32, #tpu.memory_space<vmem>>, vector<16xi32>,
      %mul3A_131 = arith.constant 16 : i32
      %mul3A_132 = arith.muli %add3A, %mul3A_131 : i32
      %add3A_133 = arith.constant 256 : i32
      %add3A_134 = arith.addi %add3A_133, %mul3A_132 : i32
      %get3A_135 = arith.index_cast %add3A_134 : i32 to index
      %get3A_136 = tpu.vector_load %arg5[%get3A_135] {strides = array<i32>} : memref<512xi32, #tpu.memory_space<vmem>>, vector<16xi32>,
      %get3A_137 = vector.shape_cast %get3A_136 : vector<16xi32> to vector<16xi32>
      %add3A_138 = arith.constant 800000 : i32
      %add3A_139 = vector.broadcast %add3A_138 : i32 to vector<16xi32>
      %add3A_140 = arith.addi %mul3A_12, %add3A_139 : vector<16xi32>
      %add3A_141 = arith.addi %add3A_140, %get3A_137 : vector<16xi32>
      %swap3A_142 = arith.constant 128 : index
      %swap3A_143 = tpu.vector_load %arg6[%swap3A_142] {strides = array<i32>} : memref<256xi32, #tpu.memory_space<vmem>>, vector<16xi32>,
      %swap3A_144 = vector.shape_cast %swap3A_143 : vector<16xi32> to vector<16xi32>
      %swap3A_145 = vector.shape_cast %add3A_141 : vector<16xi32> to vector<16xi32>
      tpu.vector_store %arg6[%swap3A_142], %swap3A_145 {strides = array<i32>} : memref<256xi32, #tpu.memory_space<vmem>>, vector<16xi32>,
      %mul3A_146 = arith.constant 16 : i32
      %mul3A_147 = arith.muli %add3A, %mul3A_146 : i32
      %add3A_148 = arith.constant 288 : i32
      %add3A_149 = arith.addi %add3A_148, %mul3A_147 : i32
      %get3A_150 = arith.index_cast %add3A_149 : i32 to index
      %get3A_151 = tpu.vector_load %arg5[%get3A_150] {strides = array<i32>} : memref<512xi32, #tpu.memory_space<vmem>>, vector<16xi32>,
      %get3A_152 = vector.shape_cast %get3A_151 : vector<16xi32> to vector<16xi32>
      %add3A_153 = arith.constant 900000 : i32
      %add3A_154 = vector.broadcast %add3A_153 : i32 to vector<16xi32>
      %add3A_155 = arith.addi %mul3A_12, %add3A_154 : vector<16xi32>
      %add3A_156 = arith.addi %add3A_155, %get3A_152 : vector<16xi32>
      %swap3A_157 = arith.constant 144 : index
      %swap3A_158 = tpu.vector_load %arg6[%swap3A_157] {strides = array<i32>} : memref<256xi32, #tpu.memory_space<vmem>>, vector<16xi32>,
      %swap3A_159 = vector.shape_cast %swap3A_158 : vector<16xi32> to vector<16xi32>
      %swap3A_160 = vector.shape_cast %add3A_156 : vector<16xi32> to vector<16xi32>
      tpu.vector_store %arg6[%swap3A_157], %swap3A_160 {strides = array<i32>} : memref<256xi32, #tpu.memory_space<vmem>>, vector<16xi32>,
      %mul3A_161 = arith.constant 16 : i32
      %mul3A_162 = arith.muli %add3A, %mul3A_161 : i32
      %add3A_163 = arith.constant 320 : i32
      %add3A_164 = arith.addi %add3A_163, %mul3A_162 : i32
      %get3A_165 = arith.index_cast %add3A_164 : i32 to index
      %get3A_166 = tpu.vector_load %arg5[%get3A_165] {strides = array<i32>} : memref<512xi32, #tpu.memory_space<vmem>>, vector<16xi32>,
      %get3A_167 = vector.shape_cast %get3A_166 : vector<16xi32> to vector<16xi32>
      %add3A_168 = arith.constant 1000000 : i32
      %add3A_169 = vector.broadcast %add3A_168 : i32 to vector<16xi32>
      %add3A_170 = arith.addi %mul3A_12, %add3A_169 : vector<16xi32>
      %add3A_171 = arith.addi %add3A_170, %get3A_167 : vector<16xi32>
      %swap3A_172 = arith.constant 160 : index
      %swap3A_173 = tpu.vector_load %arg6[%swap3A_172] {strides = array<i32>} : memref<256xi32, #tpu.memory_space<vmem>>, vector<16xi32>,
      %swap3A_174 = vector.shape_cast %swap3A_173 : vector<16xi32> to vector<16xi32>
      %swap3A_175 = vector.shape_cast %add3A_171 : vector<16xi32> to vector<16xi32>
      tpu.vector_store %arg6[%swap3A_172], %swap3A_175 {strides = array<i32>} : memref<256xi32, #tpu.memory_space<vmem>>, vector<16xi32>,
      %mul3A_176 = arith.constant 16 : i32
      %mul3A_177 = arith.muli %add3A, %mul3A_176 : i32
      %add3A_178 = arith.constant 352 : i32
      %add3A_179 = arith.addi %add3A_178, %mul3A_177 : i32
      %get3A_180 = arith.index_cast %add3A_179 : i32 to index
      %get3A_181 = tpu.vector_load %arg5[%get3A_180] {strides = array<i32>} : memref<512xi32, #tpu.memory_space<vmem>>, vector<16xi32>,
      %get3A_182 = vector.shape_cast %get3A_181 : vector<16xi32> to vector<16xi32>
      %add3A_183 = arith.constant 1100000 : i32
      %add3A_184 = vector.broadcast %add3A_183 : i32 to vector<16xi32>
      %add3A_185 = arith.addi %mul3A_12, %add3A_184 : vector<16xi32>
      %add3A_186 = arith.addi %add3A_185, %get3A_182 : vector<16xi32>
      %swap3A_187 = arith.constant 176 : index
      %swap3A_188 = tpu.vector_load %arg6[%swap3A_187] {strides = array<i32>} : memref<256xi32, #tpu.memory_space<vmem>>, vector<16xi32>,
      %swap3A_189 = vector.shape_cast %swap3A_188 : vector<16xi32> to vector<16xi32>
      %swap3A_190 = vector.shape_cast %add3A_186 : vector<16xi32> to vector<16xi32>
      tpu.vector_store %arg6[%swap3A_187], %swap3A_190 {strides = array<i32>} : memref<256xi32, #tpu.memory_space<vmem>>, vector<16xi32>,
      %mul3A_191 = arith.constant 16 : i32
      %mul3A_192 = arith.muli %add3A, %mul3A_191 : i32
      %add3A_193 = arith.constant 384 : i32
      %add3A_194 = arith.addi %add3A_193, %mul3A_192 : i32
      %get3A_195 = arith.index_cast %add3A_194 : i32 to index
      %get3A_196 = tpu.vector_load %arg5[%get3A_195] {strides = array<i32>} : memref<512xi32, #tpu.memory_space<vmem>>, vector<16xi32>,
      %get3A_197 = vector.shape_cast %get3A_196 : vector<16xi32> to vector<16xi32>
      %add3A_198 = arith.constant 1200000 : i32
      %add3A_199 = vector.broadcast %add3A_198 : i32 to vector<16xi32>
      %add3A_200 = arith.addi %mul3A_12, %add3A_199 : vector<16xi32>
      %add3A_201 = arith.addi %add3A_200, %get3A_197 : vector<16xi32>
      %swap3A_202 = arith.constant 192 : index
      %swap3A_203 = tpu.vector_load %arg6[%swap3A_202] {strides = array<i32>} : memref<256xi32, #tpu.memory_space<vmem>>, vector<16xi32>,
      %swap3A_204 = vector.shape_cast %swap3A_203 : vector<16xi32> to vector<16xi32>
      %swap3A_205 = vector.shape_cast %add3A_201 : vector<16xi32> to vector<16xi32>
      tpu.vector_store %arg6[%swap3A_202], %swap3A_205 {strides = array<i32>} : memref<256xi32, #tpu.memory_space<vmem>>, vector<16xi32>,
      %mul3A_206 = arith.constant 16 : i32
      %mul3A_207 = arith.muli %add3A, %mul3A_206 : i32
      %add3A_208 = arith.constant 416 : i32
      %add3A_209 = arith.addi %add3A_208, %mul3A_207 : i32
      %get3A_210 = arith.index_cast %add3A_209 : i32 to index
      %get3A_211 = tpu.vector_load %arg5[%get3A_210] {strides = array<i32>} : memref<512xi32, #tpu.memory_space<vmem>>, vector<16xi32>,
      %get3A_212 = vector.shape_cast %get3A_211 : vector<16xi32> to vector<16xi32>
      %add3A_213 = arith.constant 1300000 : i32
      %add3A_214 = vector.broadcast %add3A_213 : i32 to vector<16xi32>
      %add3A_215 = arith.addi %mul3A_12, %add3A_214 : vector<16xi32>
      %add3A_216 = arith.addi %add3A_215, %get3A_212 : vector<16xi32>
      %swap3A_217 = arith.constant 208 : index
      %swap3A_218 = tpu.vector_load %arg6[%swap3A_217] {strides = array<i32>} : memref<256xi32, #tpu.memory_space<vmem>>, vector<16xi32>,
      %swap3A_219 = vector.shape_cast %swap3A_218 : vector<16xi32> to vector<16xi32>
      %swap3A_220 = vector.shape_cast %add3A_216 : vector<16xi32> to vector<16xi32>
      tpu.vector_store %arg6[%swap3A_217], %swap3A_220 {strides = array<i32>} : memref<256xi32, #tpu.memory_space<vmem>>, vector<16xi32>,
      %mul3A_221 = arith.constant 16 : i32
      %mul3A_222 = arith.muli %add3A, %mul3A_221 : i32
      %add3A_223 = arith.constant 448 : i32
      %add3A_224 = arith.addi %add3A_223, %mul3A_222 : i32
      %get3A_225 = arith.index_cast %add3A_224 : i32 to index
      %get3A_226 = tpu.vector_load %arg5[%get3A_225] {strides = array<i32>} : memref<512xi32, #tpu.memory_space<vmem>>, vector<16xi32>,
      %get3A_227 = vector.shape_cast %get3A_226 : vector<16xi32> to vector<16xi32>
      %add3A_228 = arith.constant 1400000 : i32
      %add3A_229 = vector.broadcast %add3A_228 : i32 to vector<16xi32>
      %add3A_230 = arith.addi %mul3A_12, %add3A_229 : vector<16xi32>
      %add3A_231 = arith.addi %add3A_230, %get3A_227 : vector<16xi32>
      %swap3A_232 = arith.constant 224 : index
      %swap3A_233 = tpu.vector_load %arg6[%swap3A_232] {strides = array<i32>} : memref<256xi32, #tpu.memory_space<vmem>>, vector<16xi32>,
      %swap3A_234 = vector.shape_cast %swap3A_233 : vector<16xi32> to vector<16xi32>
      %swap3A_235 = vector.shape_cast %add3A_231 : vector<16xi32> to vector<16xi32>
      tpu.vector_store %arg6[%swap3A_232], %swap3A_235 {strides = array<i32>} : memref<256xi32, #tpu.memory_space<vmem>>, vector<16xi32>,
      %mul3A_236 = arith.constant 16 : i32
      %mul3A_237 = arith.muli %add3A, %mul3A_236 : i32
      %add3A_238 = arith.constant 480 : i32
      %add3A_239 = arith.addi %add3A_238, %mul3A_237 : i32
      %get3A_240 = arith.index_cast %add3A_239 : i32 to index
      %get3A_241 = tpu.vector_load %arg5[%get3A_240] {strides = array<i32>} : memref<512xi32, #tpu.memory_space<vmem>>, vector<16xi32>,
      %get3A_242 = vector.shape_cast %get3A_241 : vector<16xi32> to vector<16xi32>
      %add3A_243 = arith.constant 1500000 : i32
      %add3A_244 = vector.broadcast %add3A_243 : i32 to vector<16xi32>
      %add3A_245 = arith.addi %mul3A_12, %add3A_244 : vector<16xi32>
      %add3A_246 = arith.addi %add3A_245, %get3A_242 : vector<16xi32>
      %swap3A_247 = arith.constant 240 : index
      %swap3A_248 = tpu.vector_load %arg6[%swap3A_247] {strides = array<i32>} : memref<256xi32, #tpu.memory_space<vmem>>, vector<16xi32>,
      %swap3A_249 = vector.shape_cast %swap3A_248 : vector<16xi32> to vector<16xi32>
      %swap3A_250 = vector.shape_cast %add3A_246 : vector<16xi32> to vector<16xi32>
      tpu.vector_store %arg6[%swap3A_247], %swap3A_250 {strides = array<i32>} : memref<256xi32, #tpu.memory_space<vmem>>, vector<16xi32>,
      %dma_start3A = arith.constant 0 : i32
      %dma_start3A_251 = tpu.memref_slice %arg7[%dma_start3A] : memref<256xi32, #tpu.memory_space<vmem>> -> memref<128xi32, #tpu.memory_space<vmem>>
      %dma_start3A_252 = arith.constant 0 : i32
      %dma_start3A_253 = tpu.memref_slice %arg6[%dma_start3A_252] : memref<256xi32, #tpu.memory_space<vmem>> -> memref<128xi32, #tpu.memory_space<vmem>>
      %dma_start3A_254 = arith.constant 0 : i32
      %dma_start3A_255 = tpu.memref_slice %arg2[%dma_start3A_254] : memref<51200000xi32, #tpu.memory_space<hbm>> -> memref<51200000xi32, #tpu.memory_space<hbm>>
      tpu.enqueue_indirect_dma source(%dma_start3A_255 : memref<51200000xi32, #tpu.memory_space<hbm>>) target(%dma_start3A_251 : memref<128xi32, #tpu.memory_space<vmem>>) offsets(%dma_start3A_253 : memref<128xi32, #tpu.memory_space<vmem>>) semaphore(%arg9 : memref<!tpu.dma_semaphore, #tpu.memory_space<semaphore_mem>>)
      %dma_start3A_256 = arith.constant 128 : i32
      %dma_start3A_257 = tpu.memref_slice %arg7[%dma_start3A_256] : memref<256xi32, #tpu.memory_space<vmem>> -> memref<128xi32, #tpu.memory_space<vmem>>
      %dma_start3A_258 = arith.constant 128 : i32
      %dma_start3A_259 = tpu.memref_slice %arg6[%dma_start3A_258] : memref<256xi32, #tpu.memory_space<vmem>> -> memref<128xi32, #tpu.memory_space<vmem>>
      %dma_start3A_260 = arith.constant 0 : i32
      %dma_start3A_261 = tpu.memref_slice %arg2[%dma_start3A_260] : memref<51200000xi32, #tpu.memory_space<hbm>> -> memref<51200000xi32, #tpu.memory_space<hbm>>
      tpu.enqueue_indirect_dma source(%dma_start3A_261 : memref<51200000xi32, #tpu.memory_space<hbm>>) target(%dma_start3A_257 : memref<128xi32, #tpu.memory_space<vmem>>) offsets(%dma_start3A_259 : memref<128xi32, #tpu.memory_space<vmem>>) semaphore(%arg9 : memref<!tpu.dma_semaphore, #tpu.memory_space<semaphore_mem>>)
      %dma_wait3A = arith.constant 0 : i32
      %dma_wait3A_262 = tpu.memref_slice %arg7[%dma_wait3A] : memref<256xi32, #tpu.memory_space<vmem>> -> memref<128xi32, #tpu.memory_space<vmem>>
      %dma_wait3A_263 = arith.constant 0 : i32
      %dma_wait3A_264 = tpu.memref_slice %arg6[%dma_wait3A_263] : memref<256xi32, #tpu.memory_space<vmem>> -> memref<128xi32, #tpu.memory_space<vmem>>
      %dma_wait3A_265 = arith.constant 0 : i32
      %dma_wait3A_266 = tpu.memref_slice %arg2[%dma_wait3A_265] : memref<51200000xi32, #tpu.memory_space<hbm>> -> memref<51200000xi32, #tpu.memory_space<hbm>>
      tpu.wait_indirect_dma semaphore(%arg9 : memref<!tpu.dma_semaphore, #tpu.memory_space<semaphore_mem>>) src(%dma_wait3A_266 : memref<51200000xi32, #tpu.memory_space<hbm>>) dst(%dma_wait3A_262 : memref<128xi32, #tpu.memory_space<vmem>>)
      %dma_wait3A_267 = arith.constant 128 : i32
      %dma_wait3A_268 = tpu.memref_slice %arg7[%dma_wait3A_267] : memref<256xi32, #tpu.memory_space<vmem>> -> memref<128xi32, #tpu.memory_space<vmem>>
      %dma_wait3A_269 = arith.constant 128 : i32
      %dma_wait3A_270 = tpu.memref_slice %arg6[%dma_wait3A_269] : memref<256xi32, #tpu.memory_space<vmem>> -> memref<128xi32, #tpu.memory_space<vmem>>
      %dma_wait3A_271 = arith.constant 0 : i32
      %dma_wait3A_272 = tpu.memref_slice %arg2[%dma_wait3A_271] : memref<51200000xi32, #tpu.memory_space<hbm>> -> memref<51200000xi32, #tpu.memory_space<hbm>>
      tpu.wait_indirect_dma semaphore(%arg9 : memref<!tpu.dma_semaphore, #tpu.memory_space<semaphore_mem>>) src(%dma_wait3A_272 : memref<51200000xi32, #tpu.memory_space<hbm>>) dst(%dma_wait3A_268 : memref<128xi32, #tpu.memory_space<vmem>>)
      %broadcast_in_dim3A = arith.constant 0.000000e+00 : f32
      %broadcast_in_dim3A_273 = vector.broadcast %broadcast_in_dim3A : f32 to vector<16xf32>
      %broadcast_in_dim3A_274 = arith.constant 0.000000e+00 : f32
      %broadcast_in_dim3A_275 = vector.broadcast %broadcast_in_dim3A_274 : f32 to vector<16xf32>
      %mul3A_276 = arith.constant 16 : i32
      %mul3A_277 = arith.muli %add3A, %mul3A_276 : i32
      %add3A_278 = arith.constant 0 : i32
      %add3A_279 = arith.addi %add3A_278, %mul3A_277 : i32
      %get3A_280 = arith.index_cast %add3A_279 : i32 to index
      %get3A_281 = tpu.vector_load %arg5[%get3A_280] {strides = array<i32>} : memref<512xi32, #tpu.memory_space<vmem>>, vector<16xi32>,
      %get3A_282 = vector.shape_cast %get3A_281 : vector<16xi32> to vector<16xi32>
      %get3A_283 = arith.constant 0 : index
      %get3A_284 = tpu.vector_load %arg7[%get3A_283] {strides = array<i32>} : memref<256xi32, #tpu.memory_space<vmem>>, vector<16xi32>,
      %get3A_285 = vector.shape_cast %get3A_284 : vector<16xi32> to vector<16xi32>
      %ne3A = arith.constant 0 : i32
      %ne3A_286 = vector.broadcast %ne3A : i32 to vector<16xi32>
      %ne3A_287 = arith.cmpi ne, %get3A_282, %ne3A_286 : vector<16xi32>
      %ne3A_288 = arith.constant 1 : i32
      %ne3A_289 = vector.broadcast %ne3A_288 : i32 to vector<16xi32>
      %ne3A_290 = arith.cmpi ne, %get3A_282, %ne3A_289 : vector<16xi32>
      %and3A = arith.andi %ne3A_287, %ne3A_290 : vector<16xi1>
      %jit3A = arith.constant 1.000000e+00 : f32
      %jit3A_291 = arith.constant 0.000000e+00 : f32
      %broadcast_in_dim3A_292 = vector.broadcast %jit3A : f32 to vector<16xf32>
      %broadcast_in_dim3A_293 = vector.broadcast %jit3A_291 : f32 to vector<16xf32>
      %select_n3A = arith.select %and3A, %broadcast_in_dim3A_292, %broadcast_in_dim3A_293 : vector<16xi1>, vector<16xf32>
      %shift_right_arithmetic3A = arith.constant 23 : i32
      %shift_right_arithmetic3A_294 = vector.broadcast %shift_right_arithmetic3A : i32 to vector<16xi32>
      %shift_right_arithmetic3A_295 = arith.shrsi %get3A_285, %shift_right_arithmetic3A_294 : vector<16xi32>
      %sub3A = arith.constant 127 : i32
      %sub3A_296 = vector.broadcast %sub3A : i32 to vector<16xi32>
      %sub3A_297 = arith.subi %shift_right_arithmetic3A_295, %sub3A_296 : vector<16xi32>
      %and3A_298 = arith.constant 8388607 : i32
      %and3A_299 = vector.broadcast %and3A_298 : i32 to vector<16xi32>
      %and3A_300 = arith.andi %get3A_285, %and3A_299 : vector<16xi32>
      %convert_element_type3A_301 = arith.sitofp %and3A_300 : vector<16xi32> to vector<16xf32>
      %mul3A_302 = arith.constant 1.1920929E-7 : f32
      %mul3A_303 = vector.broadcast %mul3A_302 : f32 to vector<16xf32>
      %mul3A_304 = arith.mulf %convert_element_type3A_301, %mul3A_303 : vector<16xf32>
      %add3A_305 = arith.constant 1.000000e+00 : f32
      %add3A_306 = vector.broadcast %add3A_305 : f32 to vector<16xf32>
      %add3A_307 = arith.addf %add3A_306, %mul3A_304 : vector<16xf32>
      %gt3A = arith.constant 1.41421354 : f32
      %gt3A_308 = vector.broadcast %gt3A : f32 to vector<16xf32>
      %gt3A_309 = arith.cmpf ogt, %add3A_307, %gt3A_308 : vector<16xf32>
      %mul3A_310 = arith.constant 5.000000e-01 : f32
      %mul3A_311 = vector.broadcast %mul3A_310 : f32 to vector<16xf32>
      %mul3A_312 = arith.mulf %add3A_307, %mul3A_311 : vector<16xf32>
      %select_n3A_313 = arith.select %gt3A_309, %mul3A_312, %add3A_307 : vector<16xi1>, vector<16xf32>
      %add3A_314 = arith.constant 1 : i32
      %add3A_315 = vector.broadcast %add3A_314 : i32 to vector<16xi32>
      %add3A_316 = arith.addi %sub3A_297, %add3A_315 : vector<16xi32>
      %select_n3A_317 = arith.select %gt3A_309, %add3A_316, %sub3A_297 : vector<16xi1>, vector<16xi32>
      %sub3A_318 = arith.constant 1.000000e+00 : f32
      %sub3A_319 = vector.broadcast %sub3A_318 : f32 to vector<16xf32>
      %sub3A_320 = arith.subf %select_n3A_313, %sub3A_319 : vector<16xf32>
      %add3A_321 = arith.constant 1.000000e+00 : f32
      %add3A_322 = vector.broadcast %add3A_321 : f32 to vector<16xf32>
      %add3A_323 = arith.addf %select_n3A_313, %add3A_322 : vector<16xf32>
      %div3A = arith.divf %sub3A_320, %add3A_323 : vector<16xf32>
      %mul3A_324 = arith.mulf %div3A, %div3A : vector<16xf32>
      %mul3A_325 = arith.constant 0.111111112 : f32
      %mul3A_326 = vector.broadcast %mul3A_325 : f32 to vector<16xf32>
      %mul3A_327 = arith.mulf %mul3A_324, %mul3A_326 : vector<16xf32>
      %add3A_328 = arith.constant 0.142857149 : f32
      %add3A_329 = vector.broadcast %add3A_328 : f32 to vector<16xf32>
      %add3A_330 = arith.addf %add3A_329, %mul3A_327 : vector<16xf32>
      %mul3A_331 = arith.mulf %mul3A_324, %add3A_330 : vector<16xf32>
      %add3A_332 = arith.constant 2.000000e-01 : f32
      %add3A_333 = vector.broadcast %add3A_332 : f32 to vector<16xf32>
      %add3A_334 = arith.addf %add3A_333, %mul3A_331 : vector<16xf32>
      %mul3A_335 = arith.mulf %mul3A_324, %add3A_334 : vector<16xf32>
      %add3A_336 = arith.constant 0.333333343 : f32
      %add3A_337 = vector.broadcast %add3A_336 : f32 to vector<16xf32>
      %add3A_338 = arith.addf %add3A_337, %mul3A_335 : vector<16xf32>
      %mul3A_339 = arith.mulf %mul3A_324, %add3A_338 : vector<16xf32>
      %add3A_340 = arith.constant 1.000000e+00 : f32
      %add3A_341 = vector.broadcast %add3A_340 : f32 to vector<16xf32>
      %add3A_342 = arith.addf %add3A_341, %mul3A_339 : vector<16xf32>
      %convert_element_type3A_343 = arith.sitofp %select_n3A_317 : vector<16xi32> to vector<16xf32>
      %mul3A_344 = arith.constant 0.693147182 : f32
      %mul3A_345 = vector.broadcast %mul3A_344 : f32 to vector<16xf32>
      %mul3A_346 = arith.mulf %convert_element_type3A_343, %mul3A_345 : vector<16xf32>
      %mul3A_347 = arith.constant 2.000000e+00 : f32
      %mul3A_348 = vector.broadcast %mul3A_347 : f32 to vector<16xf32>
      %mul3A_349 = arith.mulf %mul3A_348, %div3A : vector<16xf32>
      %mul3A_350 = arith.mulf %mul3A_349, %add3A_342 : vector<16xf32>
      %add3A_351 = arith.addf %mul3A_346, %mul3A_350 : vector<16xf32>
      %neg3A = arith.constant 0.000000e+00 : f32
      %neg3A_352 = vector.broadcast %neg3A : f32 to vector<16xf32>
      %neg3A_353 = arith.subf %neg3A_352, %add3A_351 : vector<16xf32>
      %mul3A_354 = arith.mulf %neg3A_353, %select_n3A : vector<16xf32>
      %add3A_355 = arith.addf %broadcast_in_dim3A_273, %mul3A_354 : vector<16xf32>
      %add3A_356 = arith.addf %broadcast_in_dim3A_275, %select_n3A : vector<16xf32>
      %mul3A_357 = arith.constant 16 : i32
      %mul3A_358 = arith.muli %add3A, %mul3A_357 : i32
      %add3A_359 = arith.constant 32 : i32
      %add3A_360 = arith.addi %add3A_359, %mul3A_358 : i32
      %get3A_361 = arith.index_cast %add3A_360 : i32 to index
      %get3A_362 = tpu.vector_load %arg5[%get3A_361] {strides = array<i32>} : memref<512xi32, #tpu.memory_space<vmem>>, vector<16xi32>,
      %get3A_363 = vector.shape_cast %get3A_362 : vector<16xi32> to vector<16xi32>
      %get3A_364 = arith.constant 16 : index
      %get3A_365 = tpu.vector_load %arg7[%get3A_364] {strides = array<i32>} : memref<256xi32, #tpu.memory_space<vmem>>, vector<16xi32>,
      %get3A_366 = vector.shape_cast %get3A_365 : vector<16xi32> to vector<16xi32>
      %ne3A_367 = arith.constant 0 : i32
      %ne3A_368 = vector.broadcast %ne3A_367 : i32 to vector<16xi32>
      %ne3A_369 = arith.cmpi ne, %get3A_363, %ne3A_368 : vector<16xi32>
      %ne3A_370 = arith.constant 1 : i32
      %ne3A_371 = vector.broadcast %ne3A_370 : i32 to vector<16xi32>
      %ne3A_372 = arith.cmpi ne, %get3A_363, %ne3A_371 : vector<16xi32>
      %and3A_373 = arith.andi %ne3A_369, %ne3A_372 : vector<16xi1>
      %jit3A_374 = arith.constant 1.000000e+00 : f32
      %jit3A_375 = arith.constant 0.000000e+00 : f32
      %broadcast_in_dim3A_376 = vector.broadcast %jit3A_374 : f32 to vector<16xf32>
      %broadcast_in_dim3A_377 = vector.broadcast %jit3A_375 : f32 to vector<16xf32>
      %select_n3A_378 = arith.select %and3A_373, %broadcast_in_dim3A_376, %broadcast_in_dim3A_377 : vector<16xi1>, vector<16xf32>
      %shift_right_arithmetic3A_379 = arith.constant 23 : i32
      %shift_right_arithmetic3A_380 = vector.broadcast %shift_right_arithmetic3A_379 : i32 to vector<16xi32>
      %shift_right_arithmetic3A_381 = arith.shrsi %get3A_366, %shift_right_arithmetic3A_380 : vector<16xi32>
      %sub3A_382 = arith.constant 127 : i32
      %sub3A_383 = vector.broadcast %sub3A_382 : i32 to vector<16xi32>
      %sub3A_384 = arith.subi %shift_right_arithmetic3A_381, %sub3A_383 : vector<16xi32>
      %and3A_385 = arith.constant 8388607 : i32
      %and3A_386 = vector.broadcast %and3A_385 : i32 to vector<16xi32>
      %and3A_387 = arith.andi %get3A_366, %and3A_386 : vector<16xi32>
      %convert_element_type3A_388 = arith.sitofp %and3A_387 : vector<16xi32> to vector<16xf32>
      %mul3A_389 = arith.constant 1.1920929E-7 : f32
      %mul3A_390 = vector.broadcast %mul3A_389 : f32 to vector<16xf32>
      %mul3A_391 = arith.mulf %convert_element_type3A_388, %mul3A_390 : vector<16xf32>
      %add3A_392 = arith.constant 1.000000e+00 : f32
      %add3A_393 = vector.broadcast %add3A_392 : f32 to vector<16xf32>
      %add3A_394 = arith.addf %add3A_393, %mul3A_391 : vector<16xf32>
      %gt3A_395 = arith.constant 1.41421354 : f32
      %gt3A_396 = vector.broadcast %gt3A_395 : f32 to vector<16xf32>
      %gt3A_397 = arith.cmpf ogt, %add3A_394, %gt3A_396 : vector<16xf32>
      %mul3A_398 = arith.constant 5.000000e-01 : f32
      %mul3A_399 = vector.broadcast %mul3A_398 : f32 to vector<16xf32>
      %mul3A_400 = arith.mulf %add3A_394, %mul3A_399 : vector<16xf32>
      %select_n3A_401 = arith.select %gt3A_397, %mul3A_400, %add3A_394 : vector<16xi1>, vector<16xf32>
      %add3A_402 = arith.constant 1 : i32
      %add3A_403 = vector.broadcast %add3A_402 : i32 to vector<16xi32>
      %add3A_404 = arith.addi %sub3A_384, %add3A_403 : vector<16xi32>
      %select_n3A_405 = arith.select %gt3A_397, %add3A_404, %sub3A_384 : vector<16xi1>, vector<16xi32>
      %sub3A_406 = arith.constant 1.000000e+00 : f32
      %sub3A_407 = vector.broadcast %sub3A_406 : f32 to vector<16xf32>
      %sub3A_408 = arith.subf %select_n3A_401, %sub3A_407 : vector<16xf32>
      %add3A_409 = arith.constant 1.000000e+00 : f32
      %add3A_410 = vector.broadcast %add3A_409 : f32 to vector<16xf32>
      %add3A_411 = arith.addf %select_n3A_401, %add3A_410 : vector<16xf32>
      %div3A_412 = arith.divf %sub3A_408, %add3A_411 : vector<16xf32>
      %mul3A_413 = arith.mulf %div3A_412, %div3A_412 : vector<16xf32>
      %mul3A_414 = arith.constant 0.111111112 : f32
      %mul3A_415 = vector.broadcast %mul3A_414 : f32 to vector<16xf32>
      %mul3A_416 = arith.mulf %mul3A_413, %mul3A_415 : vector<16xf32>
      %add3A_417 = arith.constant 0.142857149 : f32
      %add3A_418 = vector.broadcast %add3A_417 : f32 to vector<16xf32>
      %add3A_419 = arith.addf %add3A_418, %mul3A_416 : vector<16xf32>
      %mul3A_420 = arith.mulf %mul3A_413, %add3A_419 : vector<16xf32>
      %add3A_421 = arith.constant 2.000000e-01 : f32
      %add3A_422 = vector.broadcast %add3A_421 : f32 to vector<16xf32>
      %add3A_423 = arith.addf %add3A_422, %mul3A_420 : vector<16xf32>
      %mul3A_424 = arith.mulf %mul3A_413, %add3A_423 : vector<16xf32>
      %add3A_425 = arith.constant 0.333333343 : f32
      %add3A_426 = vector.broadcast %add3A_425 : f32 to vector<16xf32>
      %add3A_427 = arith.addf %add3A_426, %mul3A_424 : vector<16xf32>
      %mul3A_428 = arith.mulf %mul3A_413, %add3A_427 : vector<16xf32>
      %add3A_429 = arith.constant 1.000000e+00 : f32
      %add3A_430 = vector.broadcast %add3A_429 : f32 to vector<16xf32>
      %add3A_431 = arith.addf %add3A_430, %mul3A_428 : vector<16xf32>
      %convert_element_type3A_432 = arith.sitofp %select_n3A_405 : vector<16xi32> to vector<16xf32>
      %mul3A_433 = arith.constant 0.693147182 : f32
      %mul3A_434 = vector.broadcast %mul3A_433 : f32 to vector<16xf32>
      %mul3A_435 = arith.mulf %convert_element_type3A_432, %mul3A_434 : vector<16xf32>
      %mul3A_436 = arith.constant 2.000000e+00 : f32
      %mul3A_437 = vector.broadcast %mul3A_436 : f32 to vector<16xf32>
      %mul3A_438 = arith.mulf %mul3A_437, %div3A_412 : vector<16xf32>
      %mul3A_439 = arith.mulf %mul3A_438, %add3A_431 : vector<16xf32>
      %add3A_440 = arith.addf %mul3A_435, %mul3A_439 : vector<16xf32>
      %neg3A_441 = arith.constant 0.000000e+00 : f32
      %neg3A_442 = vector.broadcast %neg3A_441 : f32 to vector<16xf32>
      %neg3A_443 = arith.subf %neg3A_442, %add3A_440 : vector<16xf32>
      %mul3A_444 = arith.mulf %neg3A_443, %select_n3A_378 : vector<16xf32>
      %add3A_445 = arith.addf %add3A_355, %mul3A_444 : vector<16xf32>
      %add3A_446 = arith.addf %add3A_356, %select_n3A_378 : vector<16xf32>
      %mul3A_447 = arith.constant 16 : i32
      %mul3A_448 = arith.muli %add3A, %mul3A_447 : i32
      %add3A_449 = arith.constant 64 : i32
      %add3A_450 = arith.addi %add3A_449, %mul3A_448 : i32
      %get3A_451 = arith.index_cast %add3A_450 : i32 to index
      %get3A_452 = tpu.vector_load %arg5[%get3A_451] {strides = array<i32>} : memref<512xi32, #tpu.memory_space<vmem>>, vector<16xi32>,
      %get3A_453 = vector.shape_cast %get3A_452 : vector<16xi32> to vector<16xi32>
      %get3A_454 = arith.constant 32 : index
      %get3A_455 = tpu.vector_load %arg7[%get3A_454] {strides = array<i32>} : memref<256xi32, #tpu.memory_space<vmem>>, vector<16xi32>,
      %get3A_456 = vector.shape_cast %get3A_455 : vector<16xi32> to vector<16xi32>
      %ne3A_457 = arith.constant 0 : i32
      %ne3A_458 = vector.broadcast %ne3A_457 : i32 to vector<16xi32>
      %ne3A_459 = arith.cmpi ne, %get3A_453, %ne3A_458 : vector<16xi32>
      %ne3A_460 = arith.constant 1 : i32
      %ne3A_461 = vector.broadcast %ne3A_460 : i32 to vector<16xi32>
      %ne3A_462 = arith.cmpi ne, %get3A_453, %ne3A_461 : vector<16xi32>
      %and3A_463 = arith.andi %ne3A_459, %ne3A_462 : vector<16xi1>
      %jit3A_464 = arith.constant 1.000000e+00 : f32
      %jit3A_465 = arith.constant 0.000000e+00 : f32
      %broadcast_in_dim3A_466 = vector.broadcast %jit3A_464 : f32 to vector<16xf32>
      %broadcast_in_dim3A_467 = vector.broadcast %jit3A_465 : f32 to vector<16xf32>
      %select_n3A_468 = arith.select %and3A_463, %broadcast_in_dim3A_466, %broadcast_in_dim3A_467 : vector<16xi1>, vector<16xf32>
      %shift_right_arithmetic3A_469 = arith.constant 23 : i32
      %shift_right_arithmetic3A_470 = vector.broadcast %shift_right_arithmetic3A_469 : i32 to vector<16xi32>
      %shift_right_arithmetic3A_471 = arith.shrsi %get3A_456, %shift_right_arithmetic3A_470 : vector<16xi32>
      %sub3A_472 = arith.constant 127 : i32
      %sub3A_473 = vector.broadcast %sub3A_472 : i32 to vector<16xi32>
      %sub3A_474 = arith.subi %shift_right_arithmetic3A_471, %sub3A_473 : vector<16xi32>
      %and3A_475 = arith.constant 8388607 : i32
      %and3A_476 = vector.broadcast %and3A_475 : i32 to vector<16xi32>
      %and3A_477 = arith.andi %get3A_456, %and3A_476 : vector<16xi32>
      %convert_element_type3A_478 = arith.sitofp %and3A_477 : vector<16xi32> to vector<16xf32>
      %mul3A_479 = arith.constant 1.1920929E-7 : f32
      %mul3A_480 = vector.broadcast %mul3A_479 : f32 to vector<16xf32>
      %mul3A_481 = arith.mulf %convert_element_type3A_478, %mul3A_480 : vector<16xf32>
      %add3A_482 = arith.constant 1.000000e+00 : f32
      %add3A_483 = vector.broadcast %add3A_482 : f32 to vector<16xf32>
      %add3A_484 = arith.addf %add3A_483, %mul3A_481 : vector<16xf32>
      %gt3A_485 = arith.constant 1.41421354 : f32
      %gt3A_486 = vector.broadcast %gt3A_485 : f32 to vector<16xf32>
      %gt3A_487 = arith.cmpf ogt, %add3A_484, %gt3A_486 : vector<16xf32>
      %mul3A_488 = arith.constant 5.000000e-01 : f32
      %mul3A_489 = vector.broadcast %mul3A_488 : f32 to vector<16xf32>
      %mul3A_490 = arith.mulf %add3A_484, %mul3A_489 : vector<16xf32>
      %select_n3A_491 = arith.select %gt3A_487, %mul3A_490, %add3A_484 : vector<16xi1>, vector<16xf32>
      %add3A_492 = arith.constant 1 : i32
      %add3A_493 = vector.broadcast %add3A_492 : i32 to vector<16xi32>
      %add3A_494 = arith.addi %sub3A_474, %add3A_493 : vector<16xi32>
      %select_n3A_495 = arith.select %gt3A_487, %add3A_494, %sub3A_474 : vector<16xi1>, vector<16xi32>
      %sub3A_496 = arith.constant 1.000000e+00 : f32
      %sub3A_497 = vector.broadcast %sub3A_496 : f32 to vector<16xf32>
      %sub3A_498 = arith.subf %select_n3A_491, %sub3A_497 : vector<16xf32>
      %add3A_499 = arith.constant 1.000000e+00 : f32
      %add3A_500 = vector.broadcast %add3A_499 : f32 to vector<16xf32>
      %add3A_501 = arith.addf %select_n3A_491, %add3A_500 : vector<16xf32>
      %div3A_502 = arith.divf %sub3A_498, %add3A_501 : vector<16xf32>
      %mul3A_503 = arith.mulf %div3A_502, %div3A_502 : vector<16xf32>
      %mul3A_504 = arith.constant 0.111111112 : f32
      %mul3A_505 = vector.broadcast %mul3A_504 : f32 to vector<16xf32>
      %mul3A_506 = arith.mulf %mul3A_503, %mul3A_505 : vector<16xf32>
      %add3A_507 = arith.constant 0.142857149 : f32
      %add3A_508 = vector.broadcast %add3A_507 : f32 to vector<16xf32>
      %add3A_509 = arith.addf %add3A_508, %mul3A_506 : vector<16xf32>
      %mul3A_510 = arith.mulf %mul3A_503, %add3A_509 : vector<16xf32>
      %add3A_511 = arith.constant 2.000000e-01 : f32
      %add3A_512 = vector.broadcast %add3A_511 : f32 to vector<16xf32>
      %add3A_513 = arith.addf %add3A_512, %mul3A_510 : vector<16xf32>
      %mul3A_514 = arith.mulf %mul3A_503, %add3A_513 : vector<16xf32>
      %add3A_515 = arith.constant 0.333333343 : f32
      %add3A_516 = vector.broadcast %add3A_515 : f32 to vector<16xf32>
      %add3A_517 = arith.addf %add3A_516, %mul3A_514 : vector<16xf32>
      %mul3A_518 = arith.mulf %mul3A_503, %add3A_517 : vector<16xf32>
      %add3A_519 = arith.constant 1.000000e+00 : f32
      %add3A_520 = vector.broadcast %add3A_519 : f32 to vector<16xf32>
      %add3A_521 = arith.addf %add3A_520, %mul3A_518 : vector<16xf32>
      %convert_element_type3A_522 = arith.sitofp %select_n3A_495 : vector<16xi32> to vector<16xf32>
      %mul3A_523 = arith.constant 0.693147182 : f32
      %mul3A_524 = vector.broadcast %mul3A_523 : f32 to vector<16xf32>
      %mul3A_525 = arith.mulf %convert_element_type3A_522, %mul3A_524 : vector<16xf32>
      %mul3A_526 = arith.constant 2.000000e+00 : f32
      %mul3A_527 = vector.broadcast %mul3A_526 : f32 to vector<16xf32>
      %mul3A_528 = arith.mulf %mul3A_527, %div3A_502 : vector<16xf32>
      %mul3A_529 = arith.mulf %mul3A_528, %add3A_521 : vector<16xf32>
      %add3A_530 = arith.addf %mul3A_525, %mul3A_529 : vector<16xf32>
      %neg3A_531 = arith.constant 0.000000e+00 : f32
      %neg3A_532 = vector.broadcast %neg3A_531 : f32 to vector<16xf32>
      %neg3A_533 = arith.subf %neg3A_532, %add3A_530 : vector<16xf32>
      %mul3A_534 = arith.mulf %neg3A_533, %select_n3A_468 : vector<16xf32>
      %add3A_535 = arith.addf %add3A_445, %mul3A_534 : vector<16xf32>
      %add3A_536 = arith.addf %add3A_446, %select_n3A_468 : vector<16xf32>
      %mul3A_537 = arith.constant 16 : i32
      %mul3A_538 = arith.muli %add3A, %mul3A_537 : i32
      %add3A_539 = arith.constant 96 : i32
      %add3A_540 = arith.addi %add3A_539, %mul3A_538 : i32
      %get3A_541 = arith.index_cast %add3A_540 : i32 to index
      %get3A_542 = tpu.vector_load %arg5[%get3A_541] {strides = array<i32>} : memref<512xi32, #tpu.memory_space<vmem>>, vector<16xi32>,
      %get3A_543 = vector.shape_cast %get3A_542 : vector<16xi32> to vector<16xi32>
      %get3A_544 = arith.constant 48 : index
      %get3A_545 = tpu.vector_load %arg7[%get3A_544] {strides = array<i32>} : memref<256xi32, #tpu.memory_space<vmem>>, vector<16xi32>,
      %get3A_546 = vector.shape_cast %get3A_545 : vector<16xi32> to vector<16xi32>
      %ne3A_547 = arith.constant 0 : i32
      %ne3A_548 = vector.broadcast %ne3A_547 : i32 to vector<16xi32>
      %ne3A_549 = arith.cmpi ne, %get3A_543, %ne3A_548 : vector<16xi32>
      %ne3A_550 = arith.constant 1 : i32
      %ne3A_551 = vector.broadcast %ne3A_550 : i32 to vector<16xi32>
      %ne3A_552 = arith.cmpi ne, %get3A_543, %ne3A_551 : vector<16xi32>
      %and3A_553 = arith.andi %ne3A_549, %ne3A_552 : vector<16xi1>
      %jit3A_554 = arith.constant 1.000000e+00 : f32
      %jit3A_555 = arith.constant 0.000000e+00 : f32
      %broadcast_in_dim3A_556 = vector.broadcast %jit3A_554 : f32 to vector<16xf32>
      %broadcast_in_dim3A_557 = vector.broadcast %jit3A_555 : f32 to vector<16xf32>
      %select_n3A_558 = arith.select %and3A_553, %broadcast_in_dim3A_556, %broadcast_in_dim3A_557 : vector<16xi1>, vector<16xf32>
      %shift_right_arithmetic3A_559 = arith.constant 23 : i32
      %shift_right_arithmetic3A_560 = vector.broadcast %shift_right_arithmetic3A_559 : i32 to vector<16xi32>
      %shift_right_arithmetic3A_561 = arith.shrsi %get3A_546, %shift_right_arithmetic3A_560 : vector<16xi32>
      %sub3A_562 = arith.constant 127 : i32
      %sub3A_563 = vector.broadcast %sub3A_562 : i32 to vector<16xi32>
      %sub3A_564 = arith.subi %shift_right_arithmetic3A_561, %sub3A_563 : vector<16xi32>
      %and3A_565 = arith.constant 8388607 : i32
      %and3A_566 = vector.broadcast %and3A_565 : i32 to vector<16xi32>
      %and3A_567 = arith.andi %get3A_546, %and3A_566 : vector<16xi32>
      %convert_element_type3A_568 = arith.sitofp %and3A_567 : vector<16xi32> to vector<16xf32>
      %mul3A_569 = arith.constant 1.1920929E-7 : f32
      %mul3A_570 = vector.broadcast %mul3A_569 : f32 to vector<16xf32>
      %mul3A_571 = arith.mulf %convert_element_type3A_568, %mul3A_570 : vector<16xf32>
      %add3A_572 = arith.constant 1.000000e+00 : f32
      %add3A_573 = vector.broadcast %add3A_572 : f32 to vector<16xf32>
      %add3A_574 = arith.addf %add3A_573, %mul3A_571 : vector<16xf32>
      %gt3A_575 = arith.constant 1.41421354 : f32
      %gt3A_576 = vector.broadcast %gt3A_575 : f32 to vector<16xf32>
      %gt3A_577 = arith.cmpf ogt, %add3A_574, %gt3A_576 : vector<16xf32>
      %mul3A_578 = arith.constant 5.000000e-01 : f32
      %mul3A_579 = vector.broadcast %mul3A_578 : f32 to vector<16xf32>
      %mul3A_580 = arith.mulf %add3A_574, %mul3A_579 : vector<16xf32>
      %select_n3A_581 = arith.select %gt3A_577, %mul3A_580, %add3A_574 : vector<16xi1>, vector<16xf32>
      %add3A_582 = arith.constant 1 : i32
      %add3A_583 = vector.broadcast %add3A_582 : i32 to vector<16xi32>
      %add3A_584 = arith.addi %sub3A_564, %add3A_583 : vector<16xi32>
      %select_n3A_585 = arith.select %gt3A_577, %add3A_584, %sub3A_564 : vector<16xi1>, vector<16xi32>
      %sub3A_586 = arith.constant 1.000000e+00 : f32
      %sub3A_587 = vector.broadcast %sub3A_586 : f32 to vector<16xf32>
      %sub3A_588 = arith.subf %select_n3A_581, %sub3A_587 : vector<16xf32>
      %add3A_589 = arith.constant 1.000000e+00 : f32
      %add3A_590 = vector.broadcast %add3A_589 : f32 to vector<16xf32>
      %add3A_591 = arith.addf %select_n3A_581, %add3A_590 : vector<16xf32>
      %div3A_592 = arith.divf %sub3A_588, %add3A_591 : vector<16xf32>
      %mul3A_593 = arith.mulf %div3A_592, %div3A_592 : vector<16xf32>
      %mul3A_594 = arith.constant 0.111111112 : f32
      %mul3A_595 = vector.broadcast %mul3A_594 : f32 to vector<16xf32>
      %mul3A_596 = arith.mulf %mul3A_593, %mul3A_595 : vector<16xf32>
      %add3A_597 = arith.constant 0.142857149 : f32
      %add3A_598 = vector.broadcast %add3A_597 : f32 to vector<16xf32>
      %add3A_599 = arith.addf %add3A_598, %mul3A_596 : vector<16xf32>
      %mul3A_600 = arith.mulf %mul3A_593, %add3A_599 : vector<16xf32>
      %add3A_601 = arith.constant 2.000000e-01 : f32
      %add3A_602 = vector.broadcast %add3A_601 : f32 to vector<16xf32>
      %add3A_603 = arith.addf %add3A_602, %mul3A_600 : vector<16xf32>
      %mul3A_604 = arith.mulf %mul3A_593, %add3A_603 : vector<16xf32>
      %add3A_605 = arith.constant 0.333333343 : f32
      %add3A_606 = vector.broadcast %add3A_605 : f32 to vector<16xf32>
      %add3A_607 = arith.addf %add3A_606, %mul3A_604 : vector<16xf32>
      %mul3A_608 = arith.mulf %mul3A_593, %add3A_607 : vector<16xf32>
      %add3A_609 = arith.constant 1.000000e+00 : f32
      %add3A_610 = vector.broadcast %add3A_609 : f32 to vector<16xf32>
      %add3A_611 = arith.addf %add3A_610, %mul3A_608 : vector<16xf32>
      %convert_element_type3A_612 = arith.sitofp %select_n3A_585 : vector<16xi32> to vector<16xf32>
      %mul3A_613 = arith.constant 0.693147182 : f32
      %mul3A_614 = vector.broadcast %mul3A_613 : f32 to vector<16xf32>
      %mul3A_615 = arith.mulf %convert_element_type3A_612, %mul3A_614 : vector<16xf32>
      %mul3A_616 = arith.constant 2.000000e+00 : f32
      %mul3A_617 = vector.broadcast %mul3A_616 : f32 to vector<16xf32>
      %mul3A_618 = arith.mulf %mul3A_617, %div3A_592 : vector<16xf32>
      %mul3A_619 = arith.mulf %mul3A_618, %add3A_611 : vector<16xf32>
      %add3A_620 = arith.addf %mul3A_615, %mul3A_619 : vector<16xf32>
      %neg3A_621 = arith.constant 0.000000e+00 : f32
      %neg3A_622 = vector.broadcast %neg3A_621 : f32 to vector<16xf32>
      %neg3A_623 = arith.subf %neg3A_622, %add3A_620 : vector<16xf32>
      %mul3A_624 = arith.mulf %neg3A_623, %select_n3A_558 : vector<16xf32>
      %add3A_625 = arith.addf %add3A_535, %mul3A_624 : vector<16xf32>
      %add3A_626 = arith.addf %add3A_536, %select_n3A_558 : vector<16xf32>
      %mul3A_627 = arith.constant 16 : i32
      %mul3A_628 = arith.muli %add3A, %mul3A_627 : i32
      %add3A_629 = arith.constant 128 : i32
      %add3A_630 = arith.addi %add3A_629, %mul3A_628 : i32
      %get3A_631 = arith.index_cast %add3A_630 : i32 to index
      %get3A_632 = tpu.vector_load %arg5[%get3A_631] {strides = array<i32>} : memref<512xi32, #tpu.memory_space<vmem>>, vector<16xi32>,
      %get3A_633 = vector.shape_cast %get3A_632 : vector<16xi32> to vector<16xi32>
      %get3A_634 = arith.constant 64 : index
      %get3A_635 = tpu.vector_load %arg7[%get3A_634] {strides = array<i32>} : memref<256xi32, #tpu.memory_space<vmem>>, vector<16xi32>,
      %get3A_636 = vector.shape_cast %get3A_635 : vector<16xi32> to vector<16xi32>
      %ne3A_637 = arith.constant 0 : i32
      %ne3A_638 = vector.broadcast %ne3A_637 : i32 to vector<16xi32>
      %ne3A_639 = arith.cmpi ne, %get3A_633, %ne3A_638 : vector<16xi32>
      %ne3A_640 = arith.constant 1 : i32
      %ne3A_641 = vector.broadcast %ne3A_640 : i32 to vector<16xi32>
      %ne3A_642 = arith.cmpi ne, %get3A_633, %ne3A_641 : vector<16xi32>
      %and3A_643 = arith.andi %ne3A_639, %ne3A_642 : vector<16xi1>
      %jit3A_644 = arith.constant 1.000000e+00 : f32
      %jit3A_645 = arith.constant 0.000000e+00 : f32
      %broadcast_in_dim3A_646 = vector.broadcast %jit3A_644 : f32 to vector<16xf32>
      %broadcast_in_dim3A_647 = vector.broadcast %jit3A_645 : f32 to vector<16xf32>
      %select_n3A_648 = arith.select %and3A_643, %broadcast_in_dim3A_646, %broadcast_in_dim3A_647 : vector<16xi1>, vector<16xf32>
      %shift_right_arithmetic3A_649 = arith.constant 23 : i32
      %shift_right_arithmetic3A_650 = vector.broadcast %shift_right_arithmetic3A_649 : i32 to vector<16xi32>
      %shift_right_arithmetic3A_651 = arith.shrsi %get3A_636, %shift_right_arithmetic3A_650 : vector<16xi32>
      %sub3A_652 = arith.constant 127 : i32
      %sub3A_653 = vector.broadcast %sub3A_652 : i32 to vector<16xi32>
      %sub3A_654 = arith.subi %shift_right_arithmetic3A_651, %sub3A_653 : vector<16xi32>
      %and3A_655 = arith.constant 8388607 : i32
      %and3A_656 = vector.broadcast %and3A_655 : i32 to vector<16xi32>
      %and3A_657 = arith.andi %get3A_636, %and3A_656 : vector<16xi32>
      %convert_element_type3A_658 = arith.sitofp %and3A_657 : vector<16xi32> to vector<16xf32>
      %mul3A_659 = arith.constant 1.1920929E-7 : f32
      %mul3A_660 = vector.broadcast %mul3A_659 : f32 to vector<16xf32>
      %mul3A_661 = arith.mulf %convert_element_type3A_658, %mul3A_660 : vector<16xf32>
      %add3A_662 = arith.constant 1.000000e+00 : f32
      %add3A_663 = vector.broadcast %add3A_662 : f32 to vector<16xf32>
      %add3A_664 = arith.addf %add3A_663, %mul3A_661 : vector<16xf32>
      %gt3A_665 = arith.constant 1.41421354 : f32
      %gt3A_666 = vector.broadcast %gt3A_665 : f32 to vector<16xf32>
      %gt3A_667 = arith.cmpf ogt, %add3A_664, %gt3A_666 : vector<16xf32>
      %mul3A_668 = arith.constant 5.000000e-01 : f32
      %mul3A_669 = vector.broadcast %mul3A_668 : f32 to vector<16xf32>
      %mul3A_670 = arith.mulf %add3A_664, %mul3A_669 : vector<16xf32>
      %select_n3A_671 = arith.select %gt3A_667, %mul3A_670, %add3A_664 : vector<16xi1>, vector<16xf32>
      %add3A_672 = arith.constant 1 : i32
      %add3A_673 = vector.broadcast %add3A_672 : i32 to vector<16xi32>
      %add3A_674 = arith.addi %sub3A_654, %add3A_673 : vector<16xi32>
      %select_n3A_675 = arith.select %gt3A_667, %add3A_674, %sub3A_654 : vector<16xi1>, vector<16xi32>
      %sub3A_676 = arith.constant 1.000000e+00 : f32
      %sub3A_677 = vector.broadcast %sub3A_676 : f32 to vector<16xf32>
      %sub3A_678 = arith.subf %select_n3A_671, %sub3A_677 : vector<16xf32>
      %add3A_679 = arith.constant 1.000000e+00 : f32
      %add3A_680 = vector.broadcast %add3A_679 : f32 to vector<16xf32>
      %add3A_681 = arith.addf %select_n3A_671, %add3A_680 : vector<16xf32>
      %div3A_682 = arith.divf %sub3A_678, %add3A_681 : vector<16xf32>
      %mul3A_683 = arith.mulf %div3A_682, %div3A_682 : vector<16xf32>
      %mul3A_684 = arith.constant 0.111111112 : f32
      %mul3A_685 = vector.broadcast %mul3A_684 : f32 to vector<16xf32>
      %mul3A_686 = arith.mulf %mul3A_683, %mul3A_685 : vector<16xf32>
      %add3A_687 = arith.constant 0.142857149 : f32
      %add3A_688 = vector.broadcast %add3A_687 : f32 to vector<16xf32>
      %add3A_689 = arith.addf %add3A_688, %mul3A_686 : vector<16xf32>
      %mul3A_690 = arith.mulf %mul3A_683, %add3A_689 : vector<16xf32>
      %add3A_691 = arith.constant 2.000000e-01 : f32
      %add3A_692 = vector.broadcast %add3A_691 : f32 to vector<16xf32>
      %add3A_693 = arith.addf %add3A_692, %mul3A_690 : vector<16xf32>
      %mul3A_694 = arith.mulf %mul3A_683, %add3A_693 : vector<16xf32>
      %add3A_695 = arith.constant 0.333333343 : f32
      %add3A_696 = vector.broadcast %add3A_695 : f32 to vector<16xf32>
      %add3A_697 = arith.addf %add3A_696, %mul3A_694 : vector<16xf32>
      %mul3A_698 = arith.mulf %mul3A_683, %add3A_697 : vector<16xf32>
      %add3A_699 = arith.constant 1.000000e+00 : f32
      %add3A_700 = vector.broadcast %add3A_699 : f32 to vector<16xf32>
      %add3A_701 = arith.addf %add3A_700, %mul3A_698 : vector<16xf32>
      %convert_element_type3A_702 = arith.sitofp %select_n3A_675 : vector<16xi32> to vector<16xf32>
      %mul3A_703 = arith.constant 0.693147182 : f32
      %mul3A_704 = vector.broadcast %mul3A_703 : f32 to vector<16xf32>
      %mul3A_705 = arith.mulf %convert_element_type3A_702, %mul3A_704 : vector<16xf32>
      %mul3A_706 = arith.constant 2.000000e+00 : f32
      %mul3A_707 = vector.broadcast %mul3A_706 : f32 to vector<16xf32>
      %mul3A_708 = arith.mulf %mul3A_707, %div3A_682 : vector<16xf32>
      %mul3A_709 = arith.mulf %mul3A_708, %add3A_701 : vector<16xf32>
      %add3A_710 = arith.addf %mul3A_705, %mul3A_709 : vector<16xf32>
      %neg3A_711 = arith.constant 0.000000e+00 : f32
      %neg3A_712 = vector.broadcast %neg3A_711 : f32 to vector<16xf32>
      %neg3A_713 = arith.subf %neg3A_712, %add3A_710 : vector<16xf32>
      %mul3A_714 = arith.mulf %neg3A_713, %select_n3A_648 : vector<16xf32>
      %add3A_715 = arith.addf %add3A_625, %mul3A_714 : vector<16xf32>
      %add3A_716 = arith.addf %add3A_626, %select_n3A_648 : vector<16xf32>
      %mul3A_717 = arith.constant 16 : i32
      %mul3A_718 = arith.muli %add3A, %mul3A_717 : i32
      %add3A_719 = arith.constant 160 : i32
      %add3A_720 = arith.addi %add3A_719, %mul3A_718 : i32
      %get3A_721 = arith.index_cast %add3A_720 : i32 to index
      %get3A_722 = tpu.vector_load %arg5[%get3A_721] {strides = array<i32>} : memref<512xi32, #tpu.memory_space<vmem>>, vector<16xi32>,
      %get3A_723 = vector.shape_cast %get3A_722 : vector<16xi32> to vector<16xi32>
      %get3A_724 = arith.constant 80 : index
      %get3A_725 = tpu.vector_load %arg7[%get3A_724] {strides = array<i32>} : memref<256xi32, #tpu.memory_space<vmem>>, vector<16xi32>,
      %get3A_726 = vector.shape_cast %get3A_725 : vector<16xi32> to vector<16xi32>
      %ne3A_727 = arith.constant 0 : i32
      %ne3A_728 = vector.broadcast %ne3A_727 : i32 to vector<16xi32>
      %ne3A_729 = arith.cmpi ne, %get3A_723, %ne3A_728 : vector<16xi32>
      %ne3A_730 = arith.constant 1 : i32
      %ne3A_731 = vector.broadcast %ne3A_730 : i32 to vector<16xi32>
      %ne3A_732 = arith.cmpi ne, %get3A_723, %ne3A_731 : vector<16xi32>
      %and3A_733 = arith.andi %ne3A_729, %ne3A_732 : vector<16xi1>
      %jit3A_734 = arith.constant 1.000000e+00 : f32
      %jit3A_735 = arith.constant 0.000000e+00 : f32
      %broadcast_in_dim3A_736 = vector.broadcast %jit3A_734 : f32 to vector<16xf32>
      %broadcast_in_dim3A_737 = vector.broadcast %jit3A_735 : f32 to vector<16xf32>
      %select_n3A_738 = arith.select %and3A_733, %broadcast_in_dim3A_736, %broadcast_in_dim3A_737 : vector<16xi1>, vector<16xf32>
      %shift_right_arithmetic3A_739 = arith.constant 23 : i32
      %shift_right_arithmetic3A_740 = vector.broadcast %shift_right_arithmetic3A_739 : i32 to vector<16xi32>
      %shift_right_arithmetic3A_741 = arith.shrsi %get3A_726, %shift_right_arithmetic3A_740 : vector<16xi32>
      %sub3A_742 = arith.constant 127 : i32
      %sub3A_743 = vector.broadcast %sub3A_742 : i32 to vector<16xi32>
      %sub3A_744 = arith.subi %shift_right_arithmetic3A_741, %sub3A_743 : vector<16xi32>
      %and3A_745 = arith.constant 8388607 : i32
      %and3A_746 = vector.broadcast %and3A_745 : i32 to vector<16xi32>
      %and3A_747 = arith.andi %get3A_726, %and3A_746 : vector<16xi32>
      %convert_element_type3A_748 = arith.sitofp %and3A_747 : vector<16xi32> to vector<16xf32>
      %mul3A_749 = arith.constant 1.1920929E-7 : f32
      %mul3A_750 = vector.broadcast %mul3A_749 : f32 to vector<16xf32>
      %mul3A_751 = arith.mulf %convert_element_type3A_748, %mul3A_750 : vector<16xf32>
      %add3A_752 = arith.constant 1.000000e+00 : f32
      %add3A_753 = vector.broadcast %add3A_752 : f32 to vector<16xf32>
      %add3A_754 = arith.addf %add3A_753, %mul3A_751 : vector<16xf32>
      %gt3A_755 = arith.constant 1.41421354 : f32
      %gt3A_756 = vector.broadcast %gt3A_755 : f32 to vector<16xf32>
      %gt3A_757 = arith.cmpf ogt, %add3A_754, %gt3A_756 : vector<16xf32>
      %mul3A_758 = arith.constant 5.000000e-01 : f32
      %mul3A_759 = vector.broadcast %mul3A_758 : f32 to vector<16xf32>
      %mul3A_760 = arith.mulf %add3A_754, %mul3A_759 : vector<16xf32>
      %select_n3A_761 = arith.select %gt3A_757, %mul3A_760, %add3A_754 : vector<16xi1>, vector<16xf32>
      %add3A_762 = arith.constant 1 : i32
      %add3A_763 = vector.broadcast %add3A_762 : i32 to vector<16xi32>
      %add3A_764 = arith.addi %sub3A_744, %add3A_763 : vector<16xi32>
      %select_n3A_765 = arith.select %gt3A_757, %add3A_764, %sub3A_744 : vector<16xi1>, vector<16xi32>
      %sub3A_766 = arith.constant 1.000000e+00 : f32
      %sub3A_767 = vector.broadcast %sub3A_766 : f32 to vector<16xf32>
      %sub3A_768 = arith.subf %select_n3A_761, %sub3A_767 : vector<16xf32>
      %add3A_769 = arith.constant 1.000000e+00 : f32
      %add3A_770 = vector.broadcast %add3A_769 : f32 to vector<16xf32>
      %add3A_771 = arith.addf %select_n3A_761, %add3A_770 : vector<16xf32>
      %div3A_772 = arith.divf %sub3A_768, %add3A_771 : vector<16xf32>
      %mul3A_773 = arith.mulf %div3A_772, %div3A_772 : vector<16xf32>
      %mul3A_774 = arith.constant 0.111111112 : f32
      %mul3A_775 = vector.broadcast %mul3A_774 : f32 to vector<16xf32>
      %mul3A_776 = arith.mulf %mul3A_773, %mul3A_775 : vector<16xf32>
      %add3A_777 = arith.constant 0.142857149 : f32
      %add3A_778 = vector.broadcast %add3A_777 : f32 to vector<16xf32>
      %add3A_779 = arith.addf %add3A_778, %mul3A_776 : vector<16xf32>
      %mul3A_780 = arith.mulf %mul3A_773, %add3A_779 : vector<16xf32>
      %add3A_781 = arith.constant 2.000000e-01 : f32
      %add3A_782 = vector.broadcast %add3A_781 : f32 to vector<16xf32>
      %add3A_783 = arith.addf %add3A_782, %mul3A_780 : vector<16xf32>
      %mul3A_784 = arith.mulf %mul3A_773, %add3A_783 : vector<16xf32>
      %add3A_785 = arith.constant 0.333333343 : f32
      %add3A_786 = vector.broadcast %add3A_785 : f32 to vector<16xf32>
      %add3A_787 = arith.addf %add3A_786, %mul3A_784 : vector<16xf32>
      %mul3A_788 = arith.mulf %mul3A_773, %add3A_787 : vector<16xf32>
      %add3A_789 = arith.constant 1.000000e+00 : f32
      %add3A_790 = vector.broadcast %add3A_789 : f32 to vector<16xf32>
      %add3A_791 = arith.addf %add3A_790, %mul3A_788 : vector<16xf32>
      %convert_element_type3A_792 = arith.sitofp %select_n3A_765 : vector<16xi32> to vector<16xf32>
      %mul3A_793 = arith.constant 0.693147182 : f32
      %mul3A_794 = vector.broadcast %mul3A_793 : f32 to vector<16xf32>
      %mul3A_795 = arith.mulf %convert_element_type3A_792, %mul3A_794 : vector<16xf32>
      %mul3A_796 = arith.constant 2.000000e+00 : f32
      %mul3A_797 = vector.broadcast %mul3A_796 : f32 to vector<16xf32>
      %mul3A_798 = arith.mulf %mul3A_797, %div3A_772 : vector<16xf32>
      %mul3A_799 = arith.mulf %mul3A_798, %add3A_791 : vector<16xf32>
      %add3A_800 = arith.addf %mul3A_795, %mul3A_799 : vector<16xf32>
      %neg3A_801 = arith.constant 0.000000e+00 : f32
      %neg3A_802 = vector.broadcast %neg3A_801 : f32 to vector<16xf32>
      %neg3A_803 = arith.subf %neg3A_802, %add3A_800 : vector<16xf32>
      %mul3A_804 = arith.mulf %neg3A_803, %select_n3A_738 : vector<16xf32>
      %add3A_805 = arith.addf %add3A_715, %mul3A_804 : vector<16xf32>
      %add3A_806 = arith.addf %add3A_716, %select_n3A_738 : vector<16xf32>
      %mul3A_807 = arith.constant 16 : i32
      %mul3A_808 = arith.muli %add3A, %mul3A_807 : i32
      %add3A_809 = arith.constant 192 : i32
      %add3A_810 = arith.addi %add3A_809, %mul3A_808 : i32
      %get3A_811 = arith.index_cast %add3A_810 : i32 to index
      %get3A_812 = tpu.vector_load %arg5[%get3A_811] {strides = array<i32>} : memref<512xi32, #tpu.memory_space<vmem>>, vector<16xi32>,
      %get3A_813 = vector.shape_cast %get3A_812 : vector<16xi32> to vector<16xi32>
      %get3A_814 = arith.constant 96 : index
      %get3A_815 = tpu.vector_load %arg7[%get3A_814] {strides = array<i32>} : memref<256xi32, #tpu.memory_space<vmem>>, vector<16xi32>,
      %get3A_816 = vector.shape_cast %get3A_815 : vector<16xi32> to vector<16xi32>
      %ne3A_817 = arith.constant 0 : i32
      %ne3A_818 = vector.broadcast %ne3A_817 : i32 to vector<16xi32>
      %ne3A_819 = arith.cmpi ne, %get3A_813, %ne3A_818 : vector<16xi32>
      %ne3A_820 = arith.constant 1 : i32
      %ne3A_821 = vector.broadcast %ne3A_820 : i32 to vector<16xi32>
      %ne3A_822 = arith.cmpi ne, %get3A_813, %ne3A_821 : vector<16xi32>
      %and3A_823 = arith.andi %ne3A_819, %ne3A_822 : vector<16xi1>
      %jit3A_824 = arith.constant 1.000000e+00 : f32
      %jit3A_825 = arith.constant 0.000000e+00 : f32
      %broadcast_in_dim3A_826 = vector.broadcast %jit3A_824 : f32 to vector<16xf32>
      %broadcast_in_dim3A_827 = vector.broadcast %jit3A_825 : f32 to vector<16xf32>
      %select_n3A_828 = arith.select %and3A_823, %broadcast_in_dim3A_826, %broadcast_in_dim3A_827 : vector<16xi1>, vector<16xf32>
      %shift_right_arithmetic3A_829 = arith.constant 23 : i32
      %shift_right_arithmetic3A_830 = vector.broadcast %shift_right_arithmetic3A_829 : i32 to vector<16xi32>
      %shift_right_arithmetic3A_831 = arith.shrsi %get3A_816, %shift_right_arithmetic3A_830 : vector<16xi32>
      %sub3A_832 = arith.constant 127 : i32
      %sub3A_833 = vector.broadcast %sub3A_832 : i32 to vector<16xi32>
      %sub3A_834 = arith.subi %shift_right_arithmetic3A_831, %sub3A_833 : vector<16xi32>
      %and3A_835 = arith.constant 8388607 : i32
      %and3A_836 = vector.broadcast %and3A_835 : i32 to vector<16xi32>
      %and3A_837 = arith.andi %get3A_816, %and3A_836 : vector<16xi32>
      %convert_element_type3A_838 = arith.sitofp %and3A_837 : vector<16xi32> to vector<16xf32>
      %mul3A_839 = arith.constant 1.1920929E-7 : f32
      %mul3A_840 = vector.broadcast %mul3A_839 : f32 to vector<16xf32>
      %mul3A_841 = arith.mulf %convert_element_type3A_838, %mul3A_840 : vector<16xf32>
      %add3A_842 = arith.constant 1.000000e+00 : f32
      %add3A_843 = vector.broadcast %add3A_842 : f32 to vector<16xf32>
      %add3A_844 = arith.addf %add3A_843, %mul3A_841 : vector<16xf32>
      %gt3A_845 = arith.constant 1.41421354 : f32
      %gt3A_846 = vector.broadcast %gt3A_845 : f32 to vector<16xf32>
      %gt3A_847 = arith.cmpf ogt, %add3A_844, %gt3A_846 : vector<16xf32>
      %mul3A_848 = arith.constant 5.000000e-01 : f32
      %mul3A_849 = vector.broadcast %mul3A_848 : f32 to vector<16xf32>
      %mul3A_850 = arith.mulf %add3A_844, %mul3A_849 : vector<16xf32>
      %select_n3A_851 = arith.select %gt3A_847, %mul3A_850, %add3A_844 : vector<16xi1>, vector<16xf32>
      %add3A_852 = arith.constant 1 : i32
      %add3A_853 = vector.broadcast %add3A_852 : i32 to vector<16xi32>
      %add3A_854 = arith.addi %sub3A_834, %add3A_853 : vector<16xi32>
      %select_n3A_855 = arith.select %gt3A_847, %add3A_854, %sub3A_834 : vector<16xi1>, vector<16xi32>
      %sub3A_856 = arith.constant 1.000000e+00 : f32
      %sub3A_857 = vector.broadcast %sub3A_856 : f32 to vector<16xf32>
      %sub3A_858 = arith.subf %select_n3A_851, %sub3A_857 : vector<16xf32>
      %add3A_859 = arith.constant 1.000000e+00 : f32
      %add3A_860 = vector.broadcast %add3A_859 : f32 to vector<16xf32>
      %add3A_861 = arith.addf %select_n3A_851, %add3A_860 : vector<16xf32>
      %div3A_862 = arith.divf %sub3A_858, %add3A_861 : vector<16xf32>
      %mul3A_863 = arith.mulf %div3A_862, %div3A_862 : vector<16xf32>
      %mul3A_864 = arith.constant 0.111111112 : f32
      %mul3A_865 = vector.broadcast %mul3A_864 : f32 to vector<16xf32>
      %mul3A_866 = arith.mulf %mul3A_863, %mul3A_865 : vector<16xf32>
      %add3A_867 = arith.constant 0.142857149 : f32
      %add3A_868 = vector.broadcast %add3A_867 : f32 to vector<16xf32>
      %add3A_869 = arith.addf %add3A_868, %mul3A_866 : vector<16xf32>
      %mul3A_870 = arith.mulf %mul3A_863, %add3A_869 : vector<16xf32>
      %add3A_871 = arith.constant 2.000000e-01 : f32
      %add3A_872 = vector.broadcast %add3A_871 : f32 to vector<16xf32>
      %add3A_873 = arith.addf %add3A_872, %mul3A_870 : vector<16xf32>
      %mul3A_874 = arith.mulf %mul3A_863, %add3A_873 : vector<16xf32>
      %add3A_875 = arith.constant 0.333333343 : f32
      %add3A_876 = vector.broadcast %add3A_875 : f32 to vector<16xf32>
      %add3A_877 = arith.addf %add3A_876, %mul3A_874 : vector<16xf32>
      %mul3A_878 = arith.mulf %mul3A_863, %add3A_877 : vector<16xf32>
      %add3A_879 = arith.constant 1.000000e+00 : f32
      %add3A_880 = vector.broadcast %add3A_879 : f32 to vector<16xf32>
      %add3A_881 = arith.addf %add3A_880, %mul3A_878 : vector<16xf32>
      %convert_element_type3A_882 = arith.sitofp %select_n3A_855 : vector<16xi32> to vector<16xf32>
      %mul3A_883 = arith.constant 0.693147182 : f32
      %mul3A_884 = vector.broadcast %mul3A_883 : f32 to vector<16xf32>
      %mul3A_885 = arith.mulf %convert_element_type3A_882, %mul3A_884 : vector<16xf32>
      %mul3A_886 = arith.constant 2.000000e+00 : f32
      %mul3A_887 = vector.broadcast %mul3A_886 : f32 to vector<16xf32>
      %mul3A_888 = arith.mulf %mul3A_887, %div3A_862 : vector<16xf32>
      %mul3A_889 = arith.mulf %mul3A_888, %add3A_881 : vector<16xf32>
      %add3A_890 = arith.addf %mul3A_885, %mul3A_889 : vector<16xf32>
      %neg3A_891 = arith.constant 0.000000e+00 : f32
      %neg3A_892 = vector.broadcast %neg3A_891 : f32 to vector<16xf32>
      %neg3A_893 = arith.subf %neg3A_892, %add3A_890 : vector<16xf32>
      %mul3A_894 = arith.mulf %neg3A_893, %select_n3A_828 : vector<16xf32>
      %add3A_895 = arith.addf %add3A_805, %mul3A_894 : vector<16xf32>
      %add3A_896 = arith.addf %add3A_806, %select_n3A_828 : vector<16xf32>
      %mul3A_897 = arith.constant 16 : i32
      %mul3A_898 = arith.muli %add3A, %mul3A_897 : i32
      %add3A_899 = arith.constant 224 : i32
      %add3A_900 = arith.addi %add3A_899, %mul3A_898 : i32
      %get3A_901 = arith.index_cast %add3A_900 : i32 to index
      %get3A_902 = tpu.vector_load %arg5[%get3A_901] {strides = array<i32>} : memref<512xi32, #tpu.memory_space<vmem>>, vector<16xi32>,
      %get3A_903 = vector.shape_cast %get3A_902 : vector<16xi32> to vector<16xi32>
      %get3A_904 = arith.constant 112 : index
      %get3A_905 = tpu.vector_load %arg7[%get3A_904] {strides = array<i32>} : memref<256xi32, #tpu.memory_space<vmem>>, vector<16xi32>,
      %get3A_906 = vector.shape_cast %get3A_905 : vector<16xi32> to vector<16xi32>
      %ne3A_907 = arith.constant 0 : i32
      %ne3A_908 = vector.broadcast %ne3A_907 : i32 to vector<16xi32>
      %ne3A_909 = arith.cmpi ne, %get3A_903, %ne3A_908 : vector<16xi32>
      %ne3A_910 = arith.constant 1 : i32
      %ne3A_911 = vector.broadcast %ne3A_910 : i32 to vector<16xi32>
      %ne3A_912 = arith.cmpi ne, %get3A_903, %ne3A_911 : vector<16xi32>
      %and3A_913 = arith.andi %ne3A_909, %ne3A_912 : vector<16xi1>
      %jit3A_914 = arith.constant 1.000000e+00 : f32
      %jit3A_915 = arith.constant 0.000000e+00 : f32
      %broadcast_in_dim3A_916 = vector.broadcast %jit3A_914 : f32 to vector<16xf32>
      %broadcast_in_dim3A_917 = vector.broadcast %jit3A_915 : f32 to vector<16xf32>
      %select_n3A_918 = arith.select %and3A_913, %broadcast_in_dim3A_916, %broadcast_in_dim3A_917 : vector<16xi1>, vector<16xf32>
      %shift_right_arithmetic3A_919 = arith.constant 23 : i32
      %shift_right_arithmetic3A_920 = vector.broadcast %shift_right_arithmetic3A_919 : i32 to vector<16xi32>
      %shift_right_arithmetic3A_921 = arith.shrsi %get3A_906, %shift_right_arithmetic3A_920 : vector<16xi32>
      %sub3A_922 = arith.constant 127 : i32
      %sub3A_923 = vector.broadcast %sub3A_922 : i32 to vector<16xi32>
      %sub3A_924 = arith.subi %shift_right_arithmetic3A_921, %sub3A_923 : vector<16xi32>
      %and3A_925 = arith.constant 8388607 : i32
      %and3A_926 = vector.broadcast %and3A_925 : i32 to vector<16xi32>
      %and3A_927 = arith.andi %get3A_906, %and3A_926 : vector<16xi32>
      %convert_element_type3A_928 = arith.sitofp %and3A_927 : vector<16xi32> to vector<16xf32>
      %mul3A_929 = arith.constant 1.1920929E-7 : f32
      %mul3A_930 = vector.broadcast %mul3A_929 : f32 to vector<16xf32>
      %mul3A_931 = arith.mulf %convert_element_type3A_928, %mul3A_930 : vector<16xf32>
      %add3A_932 = arith.constant 1.000000e+00 : f32
      %add3A_933 = vector.broadcast %add3A_932 : f32 to vector<16xf32>
      %add3A_934 = arith.addf %add3A_933, %mul3A_931 : vector<16xf32>
      %gt3A_935 = arith.constant 1.41421354 : f32
      %gt3A_936 = vector.broadcast %gt3A_935 : f32 to vector<16xf32>
      %gt3A_937 = arith.cmpf ogt, %add3A_934, %gt3A_936 : vector<16xf32>
      %mul3A_938 = arith.constant 5.000000e-01 : f32
      %mul3A_939 = vector.broadcast %mul3A_938 : f32 to vector<16xf32>
      %mul3A_940 = arith.mulf %add3A_934, %mul3A_939 : vector<16xf32>
      %select_n3A_941 = arith.select %gt3A_937, %mul3A_940, %add3A_934 : vector<16xi1>, vector<16xf32>
      %add3A_942 = arith.constant 1 : i32
      %add3A_943 = vector.broadcast %add3A_942 : i32 to vector<16xi32>
      %add3A_944 = arith.addi %sub3A_924, %add3A_943 : vector<16xi32>
      %select_n3A_945 = arith.select %gt3A_937, %add3A_944, %sub3A_924 : vector<16xi1>, vector<16xi32>
      %sub3A_946 = arith.constant 1.000000e+00 : f32
      %sub3A_947 = vector.broadcast %sub3A_946 : f32 to vector<16xf32>
      %sub3A_948 = arith.subf %select_n3A_941, %sub3A_947 : vector<16xf32>
      %add3A_949 = arith.constant 1.000000e+00 : f32
      %add3A_950 = vector.broadcast %add3A_949 : f32 to vector<16xf32>
      %add3A_951 = arith.addf %select_n3A_941, %add3A_950 : vector<16xf32>
      %div3A_952 = arith.divf %sub3A_948, %add3A_951 : vector<16xf32>
      %mul3A_953 = arith.mulf %div3A_952, %div3A_952 : vector<16xf32>
      %mul3A_954 = arith.constant 0.111111112 : f32
      %mul3A_955 = vector.broadcast %mul3A_954 : f32 to vector<16xf32>
      %mul3A_956 = arith.mulf %mul3A_953, %mul3A_955 : vector<16xf32>
      %add3A_957 = arith.constant 0.142857149 : f32
      %add3A_958 = vector.broadcast %add3A_957 : f32 to vector<16xf32>
      %add3A_959 = arith.addf %add3A_958, %mul3A_956 : vector<16xf32>
      %mul3A_960 = arith.mulf %mul3A_953, %add3A_959 : vector<16xf32>
      %add3A_961 = arith.constant 2.000000e-01 : f32
      %add3A_962 = vector.broadcast %add3A_961 : f32 to vector<16xf32>
      %add3A_963 = arith.addf %add3A_962, %mul3A_960 : vector<16xf32>
      %mul3A_964 = arith.mulf %mul3A_953, %add3A_963 : vector<16xf32>
      %add3A_965 = arith.constant 0.333333343 : f32
      %add3A_966 = vector.broadcast %add3A_965 : f32 to vector<16xf32>
      %add3A_967 = arith.addf %add3A_966, %mul3A_964 : vector<16xf32>
      %mul3A_968 = arith.mulf %mul3A_953, %add3A_967 : vector<16xf32>
      %add3A_969 = arith.constant 1.000000e+00 : f32
      %add3A_970 = vector.broadcast %add3A_969 : f32 to vector<16xf32>
      %add3A_971 = arith.addf %add3A_970, %mul3A_968 : vector<16xf32>
      %convert_element_type3A_972 = arith.sitofp %select_n3A_945 : vector<16xi32> to vector<16xf32>
      %mul3A_973 = arith.constant 0.693147182 : f32
      %mul3A_974 = vector.broadcast %mul3A_973 : f32 to vector<16xf32>
      %mul3A_975 = arith.mulf %convert_element_type3A_972, %mul3A_974 : vector<16xf32>
      %mul3A_976 = arith.constant 2.000000e+00 : f32
      %mul3A_977 = vector.broadcast %mul3A_976 : f32 to vector<16xf32>
      %mul3A_978 = arith.mulf %mul3A_977, %div3A_952 : vector<16xf32>
      %mul3A_979 = arith.mulf %mul3A_978, %add3A_971 : vector<16xf32>
      %add3A_980 = arith.addf %mul3A_975, %mul3A_979 : vector<16xf32>
      %neg3A_981 = arith.constant 0.000000e+00 : f32
      %neg3A_982 = vector.broadcast %neg3A_981 : f32 to vector<16xf32>
      %neg3A_983 = arith.subf %neg3A_982, %add3A_980 : vector<16xf32>
      %mul3A_984 = arith.mulf %neg3A_983, %select_n3A_918 : vector<16xf32>
      %add3A_985 = arith.addf %add3A_895, %mul3A_984 : vector<16xf32>
      %add3A_986 = arith.addf %add3A_896, %select_n3A_918 : vector<16xf32>
      %mul3A_987 = arith.constant 16 : i32
      %mul3A_988 = arith.muli %add3A, %mul3A_987 : i32
      %add3A_989 = arith.constant 256 : i32
      %add3A_990 = arith.addi %add3A_989, %mul3A_988 : i32
      %get3A_991 = arith.index_cast %add3A_990 : i32 to index
      %get3A_992 = tpu.vector_load %arg5[%get3A_991] {strides = array<i32>} : memref<512xi32, #tpu.memory_space<vmem>>, vector<16xi32>,
      %get3A_993 = vector.shape_cast %get3A_992 : vector<16xi32> to vector<16xi32>
      %get3A_994 = arith.constant 128 : index
      %get3A_995 = tpu.vector_load %arg7[%get3A_994] {strides = array<i32>} : memref<256xi32, #tpu.memory_space<vmem>>, vector<16xi32>,
      %get3A_996 = vector.shape_cast %get3A_995 : vector<16xi32> to vector<16xi32>
      %ne3A_997 = arith.constant 0 : i32
      %ne3A_998 = vector.broadcast %ne3A_997 : i32 to vector<16xi32>
      %ne3A_999 = arith.cmpi ne, %get3A_993, %ne3A_998 : vector<16xi32>
      %ne3A_1000 = arith.constant 1 : i32
      %ne3A_1001 = vector.broadcast %ne3A_1000 : i32 to vector<16xi32>
      %ne3A_1002 = arith.cmpi ne, %get3A_993, %ne3A_1001 : vector<16xi32>
      %and3A_1003 = arith.andi %ne3A_999, %ne3A_1002 : vector<16xi1>
      %jit3A_1004 = arith.constant 1.000000e+00 : f32
      %jit3A_1005 = arith.constant 0.000000e+00 : f32
      %broadcast_in_dim3A_1006 = vector.broadcast %jit3A_1004 : f32 to vector<16xf32>
      %broadcast_in_dim3A_1007 = vector.broadcast %jit3A_1005 : f32 to vector<16xf32>
      %select_n3A_1008 = arith.select %and3A_1003, %broadcast_in_dim3A_1006, %broadcast_in_dim3A_1007 : vector<16xi1>, vector<16xf32>
      %shift_right_arithmetic3A_1009 = arith.constant 23 : i32
      %shift_right_arithmetic3A_1010 = vector.broadcast %shift_right_arithmetic3A_1009 : i32 to vector<16xi32>
      %shift_right_arithmetic3A_1011 = arith.shrsi %get3A_996, %shift_right_arithmetic3A_1010 : vector<16xi32>
      %sub3A_1012 = arith.constant 127 : i32
      %sub3A_1013 = vector.broadcast %sub3A_1012 : i32 to vector<16xi32>
      %sub3A_1014 = arith.subi %shift_right_arithmetic3A_1011, %sub3A_1013 : vector<16xi32>
      %and3A_1015 = arith.constant 8388607 : i32
      %and3A_1016 = vector.broadcast %and3A_1015 : i32 to vector<16xi32>
      %and3A_1017 = arith.andi %get3A_996, %and3A_1016 : vector<16xi32>
      %convert_element_type3A_1018 = arith.sitofp %and3A_1017 : vector<16xi32> to vector<16xf32>
      %mul3A_1019 = arith.constant 1.1920929E-7 : f32
      %mul3A_1020 = vector.broadcast %mul3A_1019 : f32 to vector<16xf32>
      %mul3A_1021 = arith.mulf %convert_element_type3A_1018, %mul3A_1020 : vector<16xf32>
      %add3A_1022 = arith.constant 1.000000e+00 : f32
      %add3A_1023 = vector.broadcast %add3A_1022 : f32 to vector<16xf32>
      %add3A_1024 = arith.addf %add3A_1023, %mul3A_1021 : vector<16xf32>
      %gt3A_1025 = arith.constant 1.41421354 : f32
      %gt3A_1026 = vector.broadcast %gt3A_1025 : f32 to vector<16xf32>
      %gt3A_1027 = arith.cmpf ogt, %add3A_1024, %gt3A_1026 : vector<16xf32>
      %mul3A_1028 = arith.constant 5.000000e-01 : f32
      %mul3A_1029 = vector.broadcast %mul3A_1028 : f32 to vector<16xf32>
      %mul3A_1030 = arith.mulf %add3A_1024, %mul3A_1029 : vector<16xf32>
      %select_n3A_1031 = arith.select %gt3A_1027, %mul3A_1030, %add3A_1024 : vector<16xi1>, vector<16xf32>
      %add3A_1032 = arith.constant 1 : i32
      %add3A_1033 = vector.broadcast %add3A_1032 : i32 to vector<16xi32>
      %add3A_1034 = arith.addi %sub3A_1014, %add3A_1033 : vector<16xi32>
      %select_n3A_1035 = arith.select %gt3A_1027, %add3A_1034, %sub3A_1014 : vector<16xi1>, vector<16xi32>
      %sub3A_1036 = arith.constant 1.000000e+00 : f32
      %sub3A_1037 = vector.broadcast %sub3A_1036 : f32 to vector<16xf32>
      %sub3A_1038 = arith.subf %select_n3A_1031, %sub3A_1037 : vector<16xf32>
      %add3A_1039 = arith.constant 1.000000e+00 : f32
      %add3A_1040 = vector.broadcast %add3A_1039 : f32 to vector<16xf32>
      %add3A_1041 = arith.addf %select_n3A_1031, %add3A_1040 : vector<16xf32>
      %div3A_1042 = arith.divf %sub3A_1038, %add3A_1041 : vector<16xf32>
      %mul3A_1043 = arith.mulf %div3A_1042, %div3A_1042 : vector<16xf32>
      %mul3A_1044 = arith.constant 0.111111112 : f32
      %mul3A_1045 = vector.broadcast %mul3A_1044 : f32 to vector<16xf32>
      %mul3A_1046 = arith.mulf %mul3A_1043, %mul3A_1045 : vector<16xf32>
      %add3A_1047 = arith.constant 0.142857149 : f32
      %add3A_1048 = vector.broadcast %add3A_1047 : f32 to vector<16xf32>
      %add3A_1049 = arith.addf %add3A_1048, %mul3A_1046 : vector<16xf32>
      %mul3A_1050 = arith.mulf %mul3A_1043, %add3A_1049 : vector<16xf32>
      %add3A_1051 = arith.constant 2.000000e-01 : f32
      %add3A_1052 = vector.broadcast %add3A_1051 : f32 to vector<16xf32>
      %add3A_1053 = arith.addf %add3A_1052, %mul3A_1050 : vector<16xf32>
      %mul3A_1054 = arith.mulf %mul3A_1043, %add3A_1053 : vector<16xf32>
      %add3A_1055 = arith.constant 0.333333343 : f32
      %add3A_1056 = vector.broadcast %add3A_1055 : f32 to vector<16xf32>
      %add3A_1057 = arith.addf %add3A_1056, %mul3A_1054 : vector<16xf32>
      %mul3A_1058 = arith.mulf %mul3A_1043, %add3A_1057 : vector<16xf32>
      %add3A_1059 = arith.constant 1.000000e+00 : f32
      %add3A_1060 = vector.broadcast %add3A_1059 : f32 to vector<16xf32>
      %add3A_1061 = arith.addf %add3A_1060, %mul3A_1058 : vector<16xf32>
      %convert_element_type3A_1062 = arith.sitofp %select_n3A_1035 : vector<16xi32> to vector<16xf32>
      %mul3A_1063 = arith.constant 0.693147182 : f32
      %mul3A_1064 = vector.broadcast %mul3A_1063 : f32 to vector<16xf32>
      %mul3A_1065 = arith.mulf %convert_element_type3A_1062, %mul3A_1064 : vector<16xf32>
      %mul3A_1066 = arith.constant 2.000000e+00 : f32
      %mul3A_1067 = vector.broadcast %mul3A_1066 : f32 to vector<16xf32>
      %mul3A_1068 = arith.mulf %mul3A_1067, %div3A_1042 : vector<16xf32>
      %mul3A_1069 = arith.mulf %mul3A_1068, %add3A_1061 : vector<16xf32>
      %add3A_1070 = arith.addf %mul3A_1065, %mul3A_1069 : vector<16xf32>
      %neg3A_1071 = arith.constant 0.000000e+00 : f32
      %neg3A_1072 = vector.broadcast %neg3A_1071 : f32 to vector<16xf32>
      %neg3A_1073 = arith.subf %neg3A_1072, %add3A_1070 : vector<16xf32>
      %mul3A_1074 = arith.mulf %neg3A_1073, %select_n3A_1008 : vector<16xf32>
      %add3A_1075 = arith.addf %add3A_985, %mul3A_1074 : vector<16xf32>
      %add3A_1076 = arith.addf %add3A_986, %select_n3A_1008 : vector<16xf32>
      %mul3A_1077 = arith.constant 16 : i32
      %mul3A_1078 = arith.muli %add3A, %mul3A_1077 : i32
      %add3A_1079 = arith.constant 288 : i32
      %add3A_1080 = arith.addi %add3A_1079, %mul3A_1078 : i32
      %get3A_1081 = arith.index_cast %add3A_1080 : i32 to index
      %get3A_1082 = tpu.vector_load %arg5[%get3A_1081] {strides = array<i32>} : memref<512xi32, #tpu.memory_space<vmem>>, vector<16xi32>,
      %get3A_1083 = vector.shape_cast %get3A_1082 : vector<16xi32> to vector<16xi32>
      %get3A_1084 = arith.constant 144 : index
      %get3A_1085 = tpu.vector_load %arg7[%get3A_1084] {strides = array<i32>} : memref<256xi32, #tpu.memory_space<vmem>>, vector<16xi32>,
      %get3A_1086 = vector.shape_cast %get3A_1085 : vector<16xi32> to vector<16xi32>
      %ne3A_1087 = arith.constant 0 : i32
      %ne3A_1088 = vector.broadcast %ne3A_1087 : i32 to vector<16xi32>
      %ne3A_1089 = arith.cmpi ne, %get3A_1083, %ne3A_1088 : vector<16xi32>
      %ne3A_1090 = arith.constant 1 : i32
      %ne3A_1091 = vector.broadcast %ne3A_1090 : i32 to vector<16xi32>
      %ne3A_1092 = arith.cmpi ne, %get3A_1083, %ne3A_1091 : vector<16xi32>
      %and3A_1093 = arith.andi %ne3A_1089, %ne3A_1092 : vector<16xi1>
      %jit3A_1094 = arith.constant 1.000000e+00 : f32
      %jit3A_1095 = arith.constant 0.000000e+00 : f32
      %broadcast_in_dim3A_1096 = vector.broadcast %jit3A_1094 : f32 to vector<16xf32>
      %broadcast_in_dim3A_1097 = vector.broadcast %jit3A_1095 : f32 to vector<16xf32>
      %select_n3A_1098 = arith.select %and3A_1093, %broadcast_in_dim3A_1096, %broadcast_in_dim3A_1097 : vector<16xi1>, vector<16xf32>
      %shift_right_arithmetic3A_1099 = arith.constant 23 : i32
      %shift_right_arithmetic3A_1100 = vector.broadcast %shift_right_arithmetic3A_1099 : i32 to vector<16xi32>
      %shift_right_arithmetic3A_1101 = arith.shrsi %get3A_1086, %shift_right_arithmetic3A_1100 : vector<16xi32>
      %sub3A_1102 = arith.constant 127 : i32
      %sub3A_1103 = vector.broadcast %sub3A_1102 : i32 to vector<16xi32>
      %sub3A_1104 = arith.subi %shift_right_arithmetic3A_1101, %sub3A_1103 : vector<16xi32>
      %and3A_1105 = arith.constant 8388607 : i32
      %and3A_1106 = vector.broadcast %and3A_1105 : i32 to vector<16xi32>
      %and3A_1107 = arith.andi %get3A_1086, %and3A_1106 : vector<16xi32>
      %convert_element_type3A_1108 = arith.sitofp %and3A_1107 : vector<16xi32> to vector<16xf32>
      %mul3A_1109 = arith.constant 1.1920929E-7 : f32
      %mul3A_1110 = vector.broadcast %mul3A_1109 : f32 to vector<16xf32>
      %mul3A_1111 = arith.mulf %convert_element_type3A_1108, %mul3A_1110 : vector<16xf32>
      %add3A_1112 = arith.constant 1.000000e+00 : f32
      %add3A_1113 = vector.broadcast %add3A_1112 : f32 to vector<16xf32>
      %add3A_1114 = arith.addf %add3A_1113, %mul3A_1111 : vector<16xf32>
      %gt3A_1115 = arith.constant 1.41421354 : f32
      %gt3A_1116 = vector.broadcast %gt3A_1115 : f32 to vector<16xf32>
      %gt3A_1117 = arith.cmpf ogt, %add3A_1114, %gt3A_1116 : vector<16xf32>
      %mul3A_1118 = arith.constant 5.000000e-01 : f32
      %mul3A_1119 = vector.broadcast %mul3A_1118 : f32 to vector<16xf32>
      %mul3A_1120 = arith.mulf %add3A_1114, %mul3A_1119 : vector<16xf32>
      %select_n3A_1121 = arith.select %gt3A_1117, %mul3A_1120, %add3A_1114 : vector<16xi1>, vector<16xf32>
      %add3A_1122 = arith.constant 1 : i32
      %add3A_1123 = vector.broadcast %add3A_1122 : i32 to vector<16xi32>
      %add3A_1124 = arith.addi %sub3A_1104, %add3A_1123 : vector<16xi32>
      %select_n3A_1125 = arith.select %gt3A_1117, %add3A_1124, %sub3A_1104 : vector<16xi1>, vector<16xi32>
      %sub3A_1126 = arith.constant 1.000000e+00 : f32
      %sub3A_1127 = vector.broadcast %sub3A_1126 : f32 to vector<16xf32>
      %sub3A_1128 = arith.subf %select_n3A_1121, %sub3A_1127 : vector<16xf32>
      %add3A_1129 = arith.constant 1.000000e+00 : f32
      %add3A_1130 = vector.broadcast %add3A_1129 : f32 to vector<16xf32>
      %add3A_1131 = arith.addf %select_n3A_1121, %add3A_1130 : vector<16xf32>
      %div3A_1132 = arith.divf %sub3A_1128, %add3A_1131 : vector<16xf32>
      %mul3A_1133 = arith.mulf %div3A_1132, %div3A_1132 : vector<16xf32>
      %mul3A_1134 = arith.constant 0.111111112 : f32
      %mul3A_1135 = vector.broadcast %mul3A_1134 : f32 to vector<16xf32>
      %mul3A_1136 = arith.mulf %mul3A_1133, %mul3A_1135 : vector<16xf32>
      %add3A_1137 = arith.constant 0.142857149 : f32
      %add3A_1138 = vector.broadcast %add3A_1137 : f32 to vector<16xf32>
      %add3A_1139 = arith.addf %add3A_1138, %mul3A_1136 : vector<16xf32>
      %mul3A_1140 = arith.mulf %mul3A_1133, %add3A_1139 : vector<16xf32>
      %add3A_1141 = arith.constant 2.000000e-01 : f32
      %add3A_1142 = vector.broadcast %add3A_1141 : f32 to vector<16xf32>
      %add3A_1143 = arith.addf %add3A_1142, %mul3A_1140 : vector<16xf32>
      %mul3A_1144 = arith.mulf %mul3A_1133, %add3A_1143 : vector<16xf32>
      %add3A_1145 = arith.constant 0.333333343 : f32
      %add3A_1146 = vector.broadcast %add3A_1145 : f32 to vector<16xf32>
      %add3A_1147 = arith.addf %add3A_1146, %mul3A_1144 : vector<16xf32>
      %mul3A_1148 = arith.mulf %mul3A_1133, %add3A_1147 : vector<16xf32>
      %add3A_1149 = arith.constant 1.000000e+00 : f32
      %add3A_1150 = vector.broadcast %add3A_1149 : f32 to vector<16xf32>
      %add3A_1151 = arith.addf %add3A_1150, %mul3A_1148 : vector<16xf32>
      %convert_element_type3A_1152 = arith.sitofp %select_n3A_1125 : vector<16xi32> to vector<16xf32>
      %mul3A_1153 = arith.constant 0.693147182 : f32
      %mul3A_1154 = vector.broadcast %mul3A_1153 : f32 to vector<16xf32>
      %mul3A_1155 = arith.mulf %convert_element_type3A_1152, %mul3A_1154 : vector<16xf32>
      %mul3A_1156 = arith.constant 2.000000e+00 : f32
      %mul3A_1157 = vector.broadcast %mul3A_1156 : f32 to vector<16xf32>
      %mul3A_1158 = arith.mulf %mul3A_1157, %div3A_1132 : vector<16xf32>
      %mul3A_1159 = arith.mulf %mul3A_1158, %add3A_1151 : vector<16xf32>
      %add3A_1160 = arith.addf %mul3A_1155, %mul3A_1159 : vector<16xf32>
      %neg3A_1161 = arith.constant 0.000000e+00 : f32
      %neg3A_1162 = vector.broadcast %neg3A_1161 : f32 to vector<16xf32>
      %neg3A_1163 = arith.subf %neg3A_1162, %add3A_1160 : vector<16xf32>
      %mul3A_1164 = arith.mulf %neg3A_1163, %select_n3A_1098 : vector<16xf32>
      %add3A_1165 = arith.addf %add3A_1075, %mul3A_1164 : vector<16xf32>
      %add3A_1166 = arith.addf %add3A_1076, %select_n3A_1098 : vector<16xf32>
      %mul3A_1167 = arith.constant 16 : i32
      %mul3A_1168 = arith.muli %add3A, %mul3A_1167 : i32
      %add3A_1169 = arith.constant 320 : i32
      %add3A_1170 = arith.addi %add3A_1169, %mul3A_1168 : i32
      %get3A_1171 = arith.index_cast %add3A_1170 : i32 to index
      %get3A_1172 = tpu.vector_load %arg5[%get3A_1171] {strides = array<i32>} : memref<512xi32, #tpu.memory_space<vmem>>, vector<16xi32>,
      %get3A_1173 = vector.shape_cast %get3A_1172 : vector<16xi32> to vector<16xi32>
      %get3A_1174 = arith.constant 160 : index
      %get3A_1175 = tpu.vector_load %arg7[%get3A_1174] {strides = array<i32>} : memref<256xi32, #tpu.memory_space<vmem>>, vector<16xi32>,
      %get3A_1176 = vector.shape_cast %get3A_1175 : vector<16xi32> to vector<16xi32>
      %ne3A_1177 = arith.constant 0 : i32
      %ne3A_1178 = vector.broadcast %ne3A_1177 : i32 to vector<16xi32>
      %ne3A_1179 = arith.cmpi ne, %get3A_1173, %ne3A_1178 : vector<16xi32>
      %ne3A_1180 = arith.constant 1 : i32
      %ne3A_1181 = vector.broadcast %ne3A_1180 : i32 to vector<16xi32>
      %ne3A_1182 = arith.cmpi ne, %get3A_1173, %ne3A_1181 : vector<16xi32>
      %and3A_1183 = arith.andi %ne3A_1179, %ne3A_1182 : vector<16xi1>
      %jit3A_1184 = arith.constant 1.000000e+00 : f32
      %jit3A_1185 = arith.constant 0.000000e+00 : f32
      %broadcast_in_dim3A_1186 = vector.broadcast %jit3A_1184 : f32 to vector<16xf32>
      %broadcast_in_dim3A_1187 = vector.broadcast %jit3A_1185 : f32 to vector<16xf32>
      %select_n3A_1188 = arith.select %and3A_1183, %broadcast_in_dim3A_1186, %broadcast_in_dim3A_1187 : vector<16xi1>, vector<16xf32>
      %shift_right_arithmetic3A_1189 = arith.constant 23 : i32
      %shift_right_arithmetic3A_1190 = vector.broadcast %shift_right_arithmetic3A_1189 : i32 to vector<16xi32>
      %shift_right_arithmetic3A_1191 = arith.shrsi %get3A_1176, %shift_right_arithmetic3A_1190 : vector<16xi32>
      %sub3A_1192 = arith.constant 127 : i32
      %sub3A_1193 = vector.broadcast %sub3A_1192 : i32 to vector<16xi32>
      %sub3A_1194 = arith.subi %shift_right_arithmetic3A_1191, %sub3A_1193 : vector<16xi32>
      %and3A_1195 = arith.constant 8388607 : i32
      %and3A_1196 = vector.broadcast %and3A_1195 : i32 to vector<16xi32>
      %and3A_1197 = arith.andi %get3A_1176, %and3A_1196 : vector<16xi32>
      %convert_element_type3A_1198 = arith.sitofp %and3A_1197 : vector<16xi32> to vector<16xf32>
      %mul3A_1199 = arith.constant 1.1920929E-7 : f32
      %mul3A_1200 = vector.broadcast %mul3A_1199 : f32 to vector<16xf32>
      %mul3A_1201 = arith.mulf %convert_element_type3A_1198, %mul3A_1200 : vector<16xf32>
      %add3A_1202 = arith.constant 1.000000e+00 : f32
      %add3A_1203 = vector.broadcast %add3A_1202 : f32 to vector<16xf32>
      %add3A_1204 = arith.addf %add3A_1203, %mul3A_1201 : vector<16xf32>
      %gt3A_1205 = arith.constant 1.41421354 : f32
      %gt3A_1206 = vector.broadcast %gt3A_1205 : f32 to vector<16xf32>
      %gt3A_1207 = arith.cmpf ogt, %add3A_1204, %gt3A_1206 : vector<16xf32>
      %mul3A_1208 = arith.constant 5.000000e-01 : f32
      %mul3A_1209 = vector.broadcast %mul3A_1208 : f32 to vector<16xf32>
      %mul3A_1210 = arith.mulf %add3A_1204, %mul3A_1209 : vector<16xf32>
      %select_n3A_1211 = arith.select %gt3A_1207, %mul3A_1210, %add3A_1204 : vector<16xi1>, vector<16xf32>
      %add3A_1212 = arith.constant 1 : i32
      %add3A_1213 = vector.broadcast %add3A_1212 : i32 to vector<16xi32>
      %add3A_1214 = arith.addi %sub3A_1194, %add3A_1213 : vector<16xi32>
      %select_n3A_1215 = arith.select %gt3A_1207, %add3A_1214, %sub3A_1194 : vector<16xi1>, vector<16xi32>
      %sub3A_1216 = arith.constant 1.000000e+00 : f32
      %sub3A_1217 = vector.broadcast %sub3A_1216 : f32 to vector<16xf32>
      %sub3A_1218 = arith.subf %select_n3A_1211, %sub3A_1217 : vector<16xf32>
      %add3A_1219 = arith.constant 1.000000e+00 : f32
      %add3A_1220 = vector.broadcast %add3A_1219 : f32 to vector<16xf32>
      %add3A_1221 = arith.addf %select_n3A_1211, %add3A_1220 : vector<16xf32>
      %div3A_1222 = arith.divf %sub3A_1218, %add3A_1221 : vector<16xf32>
      %mul3A_1223 = arith.mulf %div3A_1222, %div3A_1222 : vector<16xf32>
      %mul3A_1224 = arith.constant 0.111111112 : f32
      %mul3A_1225 = vector.broadcast %mul3A_1224 : f32 to vector<16xf32>
      %mul3A_1226 = arith.mulf %mul3A_1223, %mul3A_1225 : vector<16xf32>
      %add3A_1227 = arith.constant 0.142857149 : f32
      %add3A_1228 = vector.broadcast %add3A_1227 : f32 to vector<16xf32>
      %add3A_1229 = arith.addf %add3A_1228, %mul3A_1226 : vector<16xf32>
      %mul3A_1230 = arith.mulf %mul3A_1223, %add3A_1229 : vector<16xf32>
      %add3A_1231 = arith.constant 2.000000e-01 : f32
      %add3A_1232 = vector.broadcast %add3A_1231 : f32 to vector<16xf32>
      %add3A_1233 = arith.addf %add3A_1232, %mul3A_1230 : vector<16xf32>
      %mul3A_1234 = arith.mulf %mul3A_1223, %add3A_1233 : vector<16xf32>
      %add3A_1235 = arith.constant 0.333333343 : f32
      %add3A_1236 = vector.broadcast %add3A_1235 : f32 to vector<16xf32>
      %add3A_1237 = arith.addf %add3A_1236, %mul3A_1234 : vector<16xf32>
      %mul3A_1238 = arith.mulf %mul3A_1223, %add3A_1237 : vector<16xf32>
      %add3A_1239 = arith.constant 1.000000e+00 : f32
      %add3A_1240 = vector.broadcast %add3A_1239 : f32 to vector<16xf32>
      %add3A_1241 = arith.addf %add3A_1240, %mul3A_1238 : vector<16xf32>
      %convert_element_type3A_1242 = arith.sitofp %select_n3A_1215 : vector<16xi32> to vector<16xf32>
      %mul3A_1243 = arith.constant 0.693147182 : f32
      %mul3A_1244 = vector.broadcast %mul3A_1243 : f32 to vector<16xf32>
      %mul3A_1245 = arith.mulf %convert_element_type3A_1242, %mul3A_1244 : vector<16xf32>
      %mul3A_1246 = arith.constant 2.000000e+00 : f32
      %mul3A_1247 = vector.broadcast %mul3A_1246 : f32 to vector<16xf32>
      %mul3A_1248 = arith.mulf %mul3A_1247, %div3A_1222 : vector<16xf32>
      %mul3A_1249 = arith.mulf %mul3A_1248, %add3A_1241 : vector<16xf32>
      %add3A_1250 = arith.addf %mul3A_1245, %mul3A_1249 : vector<16xf32>
      %neg3A_1251 = arith.constant 0.000000e+00 : f32
      %neg3A_1252 = vector.broadcast %neg3A_1251 : f32 to vector<16xf32>
      %neg3A_1253 = arith.subf %neg3A_1252, %add3A_1250 : vector<16xf32>
      %mul3A_1254 = arith.mulf %neg3A_1253, %select_n3A_1188 : vector<16xf32>
      %add3A_1255 = arith.addf %add3A_1165, %mul3A_1254 : vector<16xf32>
      %add3A_1256 = arith.addf %add3A_1166, %select_n3A_1188 : vector<16xf32>
      %mul3A_1257 = arith.constant 16 : i32
      %mul3A_1258 = arith.muli %add3A, %mul3A_1257 : i32
      %add3A_1259 = arith.constant 352 : i32
      %add3A_1260 = arith.addi %add3A_1259, %mul3A_1258 : i32
      %get3A_1261 = arith.index_cast %add3A_1260 : i32 to index
      %get3A_1262 = tpu.vector_load %arg5[%get3A_1261] {strides = array<i32>} : memref<512xi32, #tpu.memory_space<vmem>>, vector<16xi32>,
      %get3A_1263 = vector.shape_cast %get3A_1262 : vector<16xi32> to vector<16xi32>
      %get3A_1264 = arith.constant 176 : index
      %get3A_1265 = tpu.vector_load %arg7[%get3A_1264] {strides = array<i32>} : memref<256xi32, #tpu.memory_space<vmem>>, vector<16xi32>,
      %get3A_1266 = vector.shape_cast %get3A_1265 : vector<16xi32> to vector<16xi32>
      %ne3A_1267 = arith.constant 0 : i32
      %ne3A_1268 = vector.broadcast %ne3A_1267 : i32 to vector<16xi32>
      %ne3A_1269 = arith.cmpi ne, %get3A_1263, %ne3A_1268 : vector<16xi32>
      %ne3A_1270 = arith.constant 1 : i32
      %ne3A_1271 = vector.broadcast %ne3A_1270 : i32 to vector<16xi32>
      %ne3A_1272 = arith.cmpi ne, %get3A_1263, %ne3A_1271 : vector<16xi32>
      %and3A_1273 = arith.andi %ne3A_1269, %ne3A_1272 : vector<16xi1>
      %jit3A_1274 = arith.constant 1.000000e+00 : f32
      %jit3A_1275 = arith.constant 0.000000e+00 : f32
      %broadcast_in_dim3A_1276 = vector.broadcast %jit3A_1274 : f32 to vector<16xf32>
      %broadcast_in_dim3A_1277 = vector.broadcast %jit3A_1275 : f32 to vector<16xf32>
      %select_n3A_1278 = arith.select %and3A_1273, %broadcast_in_dim3A_1276, %broadcast_in_dim3A_1277 : vector<16xi1>, vector<16xf32>
      %shift_right_arithmetic3A_1279 = arith.constant 23 : i32
      %shift_right_arithmetic3A_1280 = vector.broadcast %shift_right_arithmetic3A_1279 : i32 to vector<16xi32>
      %shift_right_arithmetic3A_1281 = arith.shrsi %get3A_1266, %shift_right_arithmetic3A_1280 : vector<16xi32>
      %sub3A_1282 = arith.constant 127 : i32
      %sub3A_1283 = vector.broadcast %sub3A_1282 : i32 to vector<16xi32>
      %sub3A_1284 = arith.subi %shift_right_arithmetic3A_1281, %sub3A_1283 : vector<16xi32>
      %and3A_1285 = arith.constant 8388607 : i32
      %and3A_1286 = vector.broadcast %and3A_1285 : i32 to vector<16xi32>
      %and3A_1287 = arith.andi %get3A_1266, %and3A_1286 : vector<16xi32>
      %convert_element_type3A_1288 = arith.sitofp %and3A_1287 : vector<16xi32> to vector<16xf32>
      %mul3A_1289 = arith.constant 1.1920929E-7 : f32
      %mul3A_1290 = vector.broadcast %mul3A_1289 : f32 to vector<16xf32>
      %mul3A_1291 = arith.mulf %convert_element_type3A_1288, %mul3A_1290 : vector<16xf32>
      %add3A_1292 = arith.constant 1.000000e+00 : f32
      %add3A_1293 = vector.broadcast %add3A_1292 : f32 to vector<16xf32>
      %add3A_1294 = arith.addf %add3A_1293, %mul3A_1291 : vector<16xf32>
      %gt3A_1295 = arith.constant 1.41421354 : f32
      %gt3A_1296 = vector.broadcast %gt3A_1295 : f32 to vector<16xf32>
      %gt3A_1297 = arith.cmpf ogt, %add3A_1294, %gt3A_1296 : vector<16xf32>
      %mul3A_1298 = arith.constant 5.000000e-01 : f32
      %mul3A_1299 = vector.broadcast %mul3A_1298 : f32 to vector<16xf32>
      %mul3A_1300 = arith.mulf %add3A_1294, %mul3A_1299 : vector<16xf32>
      %select_n3A_1301 = arith.select %gt3A_1297, %mul3A_1300, %add3A_1294 : vector<16xi1>, vector<16xf32>
      %add3A_1302 = arith.constant 1 : i32
      %add3A_1303 = vector.broadcast %add3A_1302 : i32 to vector<16xi32>
      %add3A_1304 = arith.addi %sub3A_1284, %add3A_1303 : vector<16xi32>
      %select_n3A_1305 = arith.select %gt3A_1297, %add3A_1304, %sub3A_1284 : vector<16xi1>, vector<16xi32>
      %sub3A_1306 = arith.constant 1.000000e+00 : f32
      %sub3A_1307 = vector.broadcast %sub3A_1306 : f32 to vector<16xf32>
      %sub3A_1308 = arith.subf %select_n3A_1301, %sub3A_1307 : vector<16xf32>
      %add3A_1309 = arith.constant 1.000000e+00 : f32
      %add3A_1310 = vector.broadcast %add3A_1309 : f32 to vector<16xf32>
      %add3A_1311 = arith.addf %select_n3A_1301, %add3A_1310 : vector<16xf32>
      %div3A_1312 = arith.divf %sub3A_1308, %add3A_1311 : vector<16xf32>
      %mul3A_1313 = arith.mulf %div3A_1312, %div3A_1312 : vector<16xf32>
      %mul3A_1314 = arith.constant 0.111111112 : f32
      %mul3A_1315 = vector.broadcast %mul3A_1314 : f32 to vector<16xf32>
      %mul3A_1316 = arith.mulf %mul3A_1313, %mul3A_1315 : vector<16xf32>
      %add3A_1317 = arith.constant 0.142857149 : f32
      %add3A_1318 = vector.broadcast %add3A_1317 : f32 to vector<16xf32>
      %add3A_1319 = arith.addf %add3A_1318, %mul3A_1316 : vector<16xf32>
      %mul3A_1320 = arith.mulf %mul3A_1313, %add3A_1319 : vector<16xf32>
      %add3A_1321 = arith.constant 2.000000e-01 : f32
      %add3A_1322 = vector.broadcast %add3A_1321 : f32 to vector<16xf32>
      %add3A_1323 = arith.addf %add3A_1322, %mul3A_1320 : vector<16xf32>
      %mul3A_1324 = arith.mulf %mul3A_1313, %add3A_1323 : vector<16xf32>
      %add3A_1325 = arith.constant 0.333333343 : f32
      %add3A_1326 = vector.broadcast %add3A_1325 : f32 to vector<16xf32>
      %add3A_1327 = arith.addf %add3A_1326, %mul3A_1324 : vector<16xf32>
      %mul3A_1328 = arith.mulf %mul3A_1313, %add3A_1327 : vector<16xf32>
      %add3A_1329 = arith.constant 1.000000e+00 : f32
      %add3A_1330 = vector.broadcast %add3A_1329 : f32 to vector<16xf32>
      %add3A_1331 = arith.addf %add3A_1330, %mul3A_1328 : vector<16xf32>
      %convert_element_type3A_1332 = arith.sitofp %select_n3A_1305 : vector<16xi32> to vector<16xf32>
      %mul3A_1333 = arith.constant 0.693147182 : f32
      %mul3A_1334 = vector.broadcast %mul3A_1333 : f32 to vector<16xf32>
      %mul3A_1335 = arith.mulf %convert_element_type3A_1332, %mul3A_1334 : vector<16xf32>
      %mul3A_1336 = arith.constant 2.000000e+00 : f32
      %mul3A_1337 = vector.broadcast %mul3A_1336 : f32 to vector<16xf32>
      %mul3A_1338 = arith.mulf %mul3A_1337, %div3A_1312 : vector<16xf32>
      %mul3A_1339 = arith.mulf %mul3A_1338, %add3A_1331 : vector<16xf32>
      %add3A_1340 = arith.addf %mul3A_1335, %mul3A_1339 : vector<16xf32>
      %neg3A_1341 = arith.constant 0.000000e+00 : f32
      %neg3A_1342 = vector.broadcast %neg3A_1341 : f32 to vector<16xf32>
      %neg3A_1343 = arith.subf %neg3A_1342, %add3A_1340 : vector<16xf32>
      %mul3A_1344 = arith.mulf %neg3A_1343, %select_n3A_1278 : vector<16xf32>
      %add3A_1345 = arith.addf %add3A_1255, %mul3A_1344 : vector<16xf32>
      %add3A_1346 = arith.addf %add3A_1256, %select_n3A_1278 : vector<16xf32>
      %mul3A_1347 = arith.constant 16 : i32
      %mul3A_1348 = arith.muli %add3A, %mul3A_1347 : i32
      %add3A_1349 = arith.constant 384 : i32
      %add3A_1350 = arith.addi %add3A_1349, %mul3A_1348 : i32
      %get3A_1351 = arith.index_cast %add3A_1350 : i32 to index
      %get3A_1352 = tpu.vector_load %arg5[%get3A_1351] {strides = array<i32>} : memref<512xi32, #tpu.memory_space<vmem>>, vector<16xi32>,
      %get3A_1353 = vector.shape_cast %get3A_1352 : vector<16xi32> to vector<16xi32>
      %get3A_1354 = arith.constant 192 : index
      %get3A_1355 = tpu.vector_load %arg7[%get3A_1354] {strides = array<i32>} : memref<256xi32, #tpu.memory_space<vmem>>, vector<16xi32>,
      %get3A_1356 = vector.shape_cast %get3A_1355 : vector<16xi32> to vector<16xi32>
      %ne3A_1357 = arith.constant 0 : i32
      %ne3A_1358 = vector.broadcast %ne3A_1357 : i32 to vector<16xi32>
      %ne3A_1359 = arith.cmpi ne, %get3A_1353, %ne3A_1358 : vector<16xi32>
      %ne3A_1360 = arith.constant 1 : i32
      %ne3A_1361 = vector.broadcast %ne3A_1360 : i32 to vector<16xi32>
      %ne3A_1362 = arith.cmpi ne, %get3A_1353, %ne3A_1361 : vector<16xi32>
      %and3A_1363 = arith.andi %ne3A_1359, %ne3A_1362 : vector<16xi1>
      %jit3A_1364 = arith.constant 1.000000e+00 : f32
      %jit3A_1365 = arith.constant 0.000000e+00 : f32
      %broadcast_in_dim3A_1366 = vector.broadcast %jit3A_1364 : f32 to vector<16xf32>
      %broadcast_in_dim3A_1367 = vector.broadcast %jit3A_1365 : f32 to vector<16xf32>
      %select_n3A_1368 = arith.select %and3A_1363, %broadcast_in_dim3A_1366, %broadcast_in_dim3A_1367 : vector<16xi1>, vector<16xf32>
      %shift_right_arithmetic3A_1369 = arith.constant 23 : i32
      %shift_right_arithmetic3A_1370 = vector.broadcast %shift_right_arithmetic3A_1369 : i32 to vector<16xi32>
      %shift_right_arithmetic3A_1371 = arith.shrsi %get3A_1356, %shift_right_arithmetic3A_1370 : vector<16xi32>
      %sub3A_1372 = arith.constant 127 : i32
      %sub3A_1373 = vector.broadcast %sub3A_1372 : i32 to vector<16xi32>
      %sub3A_1374 = arith.subi %shift_right_arithmetic3A_1371, %sub3A_1373 : vector<16xi32>
      %and3A_1375 = arith.constant 8388607 : i32
      %and3A_1376 = vector.broadcast %and3A_1375 : i32 to vector<16xi32>
      %and3A_1377 = arith.andi %get3A_1356, %and3A_1376 : vector<16xi32>
      %convert_element_type3A_1378 = arith.sitofp %and3A_1377 : vector<16xi32> to vector<16xf32>
      %mul3A_1379 = arith.constant 1.1920929E-7 : f32
      %mul3A_1380 = vector.broadcast %mul3A_1379 : f32 to vector<16xf32>
      %mul3A_1381 = arith.mulf %convert_element_type3A_1378, %mul3A_1380 : vector<16xf32>
      %add3A_1382 = arith.constant 1.000000e+00 : f32
      %add3A_1383 = vector.broadcast %add3A_1382 : f32 to vector<16xf32>
      %add3A_1384 = arith.addf %add3A_1383, %mul3A_1381 : vector<16xf32>
      %gt3A_1385 = arith.constant 1.41421354 : f32
      %gt3A_1386 = vector.broadcast %gt3A_1385 : f32 to vector<16xf32>
      %gt3A_1387 = arith.cmpf ogt, %add3A_1384, %gt3A_1386 : vector<16xf32>
      %mul3A_1388 = arith.constant 5.000000e-01 : f32
      %mul3A_1389 = vector.broadcast %mul3A_1388 : f32 to vector<16xf32>
      %mul3A_1390 = arith.mulf %add3A_1384, %mul3A_1389 : vector<16xf32>
      %select_n3A_1391 = arith.select %gt3A_1387, %mul3A_1390, %add3A_1384 : vector<16xi1>, vector<16xf32>
      %add3A_1392 = arith.constant 1 : i32
      %add3A_1393 = vector.broadcast %add3A_1392 : i32 to vector<16xi32>
      %add3A_1394 = arith.addi %sub3A_1374, %add3A_1393 : vector<16xi32>
      %select_n3A_1395 = arith.select %gt3A_1387, %add3A_1394, %sub3A_1374 : vector<16xi1>, vector<16xi32>
      %sub3A_1396 = arith.constant 1.000000e+00 : f32
      %sub3A_1397 = vector.broadcast %sub3A_1396 : f32 to vector<16xf32>
      %sub3A_1398 = arith.subf %select_n3A_1391, %sub3A_1397 : vector<16xf32>
      %add3A_1399 = arith.constant 1.000000e+00 : f32
      %add3A_1400 = vector.broadcast %add3A_1399 : f32 to vector<16xf32>
      %add3A_1401 = arith.addf %select_n3A_1391, %add3A_1400 : vector<16xf32>
      %div3A_1402 = arith.divf %sub3A_1398, %add3A_1401 : vector<16xf32>
      %mul3A_1403 = arith.mulf %div3A_1402, %div3A_1402 : vector<16xf32>
      %mul3A_1404 = arith.constant 0.111111112 : f32
      %mul3A_1405 = vector.broadcast %mul3A_1404 : f32 to vector<16xf32>
      %mul3A_1406 = arith.mulf %mul3A_1403, %mul3A_1405 : vector<16xf32>
      %add3A_1407 = arith.constant 0.142857149 : f32
      %add3A_1408 = vector.broadcast %add3A_1407 : f32 to vector<16xf32>
      %add3A_1409 = arith.addf %add3A_1408, %mul3A_1406 : vector<16xf32>
      %mul3A_1410 = arith.mulf %mul3A_1403, %add3A_1409 : vector<16xf32>
      %add3A_1411 = arith.constant 2.000000e-01 : f32
      %add3A_1412 = vector.broadcast %add3A_1411 : f32 to vector<16xf32>
      %add3A_1413 = arith.addf %add3A_1412, %mul3A_1410 : vector<16xf32>
      %mul3A_1414 = arith.mulf %mul3A_1403, %add3A_1413 : vector<16xf32>
      %add3A_1415 = arith.constant 0.333333343 : f32
      %add3A_1416 = vector.broadcast %add3A_1415 : f32 to vector<16xf32>
      %add3A_1417 = arith.addf %add3A_1416, %mul3A_1414 : vector<16xf32>
      %mul3A_1418 = arith.mulf %mul3A_1403, %add3A_1417 : vector<16xf32>
      %add3A_1419 = arith.constant 1.000000e+00 : f32
      %add3A_1420 = vector.broadcast %add3A_1419 : f32 to vector<16xf32>
      %add3A_1421 = arith.addf %add3A_1420, %mul3A_1418 : vector<16xf32>
      %convert_element_type3A_1422 = arith.sitofp %select_n3A_1395 : vector<16xi32> to vector<16xf32>
      %mul3A_1423 = arith.constant 0.693147182 : f32
      %mul3A_1424 = vector.broadcast %mul3A_1423 : f32 to vector<16xf32>
      %mul3A_1425 = arith.mulf %convert_element_type3A_1422, %mul3A_1424 : vector<16xf32>
      %mul3A_1426 = arith.constant 2.000000e+00 : f32
      %mul3A_1427 = vector.broadcast %mul3A_1426 : f32 to vector<16xf32>
      %mul3A_1428 = arith.mulf %mul3A_1427, %div3A_1402 : vector<16xf32>
      %mul3A_1429 = arith.mulf %mul3A_1428, %add3A_1421 : vector<16xf32>
      %add3A_1430 = arith.addf %mul3A_1425, %mul3A_1429 : vector<16xf32>
      %neg3A_1431 = arith.constant 0.000000e+00 : f32
      %neg3A_1432 = vector.broadcast %neg3A_1431 : f32 to vector<16xf32>
      %neg3A_1433 = arith.subf %neg3A_1432, %add3A_1430 : vector<16xf32>
      %mul3A_1434 = arith.mulf %neg3A_1433, %select_n3A_1368 : vector<16xf32>
      %add3A_1435 = arith.addf %add3A_1345, %mul3A_1434 : vector<16xf32>
      %add3A_1436 = arith.addf %add3A_1346, %select_n3A_1368 : vector<16xf32>
      %mul3A_1437 = arith.constant 16 : i32
      %mul3A_1438 = arith.muli %add3A, %mul3A_1437 : i32
      %add3A_1439 = arith.constant 416 : i32
      %add3A_1440 = arith.addi %add3A_1439, %mul3A_1438 : i32
      %get3A_1441 = arith.index_cast %add3A_1440 : i32 to index
      %get3A_1442 = tpu.vector_load %arg5[%get3A_1441] {strides = array<i32>} : memref<512xi32, #tpu.memory_space<vmem>>, vector<16xi32>,
      %get3A_1443 = vector.shape_cast %get3A_1442 : vector<16xi32> to vector<16xi32>
      %get3A_1444 = arith.constant 208 : index
      %get3A_1445 = tpu.vector_load %arg7[%get3A_1444] {strides = array<i32>} : memref<256xi32, #tpu.memory_space<vmem>>, vector<16xi32>,
      %get3A_1446 = vector.shape_cast %get3A_1445 : vector<16xi32> to vector<16xi32>
      %ne3A_1447 = arith.constant 0 : i32
      %ne3A_1448 = vector.broadcast %ne3A_1447 : i32 to vector<16xi32>
      %ne3A_1449 = arith.cmpi ne, %get3A_1443, %ne3A_1448 : vector<16xi32>
      %ne3A_1450 = arith.constant 1 : i32
      %ne3A_1451 = vector.broadcast %ne3A_1450 : i32 to vector<16xi32>
      %ne3A_1452 = arith.cmpi ne, %get3A_1443, %ne3A_1451 : vector<16xi32>
      %and3A_1453 = arith.andi %ne3A_1449, %ne3A_1452 : vector<16xi1>
      %jit3A_1454 = arith.constant 1.000000e+00 : f32
      %jit3A_1455 = arith.constant 0.000000e+00 : f32
      %broadcast_in_dim3A_1456 = vector.broadcast %jit3A_1454 : f32 to vector<16xf32>
      %broadcast_in_dim3A_1457 = vector.broadcast %jit3A_1455 : f32 to vector<16xf32>
      %select_n3A_1458 = arith.select %and3A_1453, %broadcast_in_dim3A_1456, %broadcast_in_dim3A_1457 : vector<16xi1>, vector<16xf32>
      %shift_right_arithmetic3A_1459 = arith.constant 23 : i32
      %shift_right_arithmetic3A_1460 = vector.broadcast %shift_right_arithmetic3A_1459 : i32 to vector<16xi32>
      %shift_right_arithmetic3A_1461 = arith.shrsi %get3A_1446, %shift_right_arithmetic3A_1460 : vector<16xi32>
      %sub3A_1462 = arith.constant 127 : i32
      %sub3A_1463 = vector.broadcast %sub3A_1462 : i32 to vector<16xi32>
      %sub3A_1464 = arith.subi %shift_right_arithmetic3A_1461, %sub3A_1463 : vector<16xi32>
      %and3A_1465 = arith.constant 8388607 : i32
      %and3A_1466 = vector.broadcast %and3A_1465 : i32 to vector<16xi32>
      %and3A_1467 = arith.andi %get3A_1446, %and3A_1466 : vector<16xi32>
      %convert_element_type3A_1468 = arith.sitofp %and3A_1467 : vector<16xi32> to vector<16xf32>
      %mul3A_1469 = arith.constant 1.1920929E-7 : f32
      %mul3A_1470 = vector.broadcast %mul3A_1469 : f32 to vector<16xf32>
      %mul3A_1471 = arith.mulf %convert_element_type3A_1468, %mul3A_1470 : vector<16xf32>
      %add3A_1472 = arith.constant 1.000000e+00 : f32
      %add3A_1473 = vector.broadcast %add3A_1472 : f32 to vector<16xf32>
      %add3A_1474 = arith.addf %add3A_1473, %mul3A_1471 : vector<16xf32>
      %gt3A_1475 = arith.constant 1.41421354 : f32
      %gt3A_1476 = vector.broadcast %gt3A_1475 : f32 to vector<16xf32>
      %gt3A_1477 = arith.cmpf ogt, %add3A_1474, %gt3A_1476 : vector<16xf32>
      %mul3A_1478 = arith.constant 5.000000e-01 : f32
      %mul3A_1479 = vector.broadcast %mul3A_1478 : f32 to vector<16xf32>
      %mul3A_1480 = arith.mulf %add3A_1474, %mul3A_1479 : vector<16xf32>
      %select_n3A_1481 = arith.select %gt3A_1477, %mul3A_1480, %add3A_1474 : vector<16xi1>, vector<16xf32>
      %add3A_1482 = arith.constant 1 : i32
      %add3A_1483 = vector.broadcast %add3A_1482 : i32 to vector<16xi32>
      %add3A_1484 = arith.addi %sub3A_1464, %add3A_1483 : vector<16xi32>
      %select_n3A_1485 = arith.select %gt3A_1477, %add3A_1484, %sub3A_1464 : vector<16xi1>, vector<16xi32>
      %sub3A_1486 = arith.constant 1.000000e+00 : f32
      %sub3A_1487 = vector.broadcast %sub3A_1486 : f32 to vector<16xf32>
      %sub3A_1488 = arith.subf %select_n3A_1481, %sub3A_1487 : vector<16xf32>
      %add3A_1489 = arith.constant 1.000000e+00 : f32
      %add3A_1490 = vector.broadcast %add3A_1489 : f32 to vector<16xf32>
      %add3A_1491 = arith.addf %select_n3A_1481, %add3A_1490 : vector<16xf32>
      %div3A_1492 = arith.divf %sub3A_1488, %add3A_1491 : vector<16xf32>
      %mul3A_1493 = arith.mulf %div3A_1492, %div3A_1492 : vector<16xf32>
      %mul3A_1494 = arith.constant 0.111111112 : f32
      %mul3A_1495 = vector.broadcast %mul3A_1494 : f32 to vector<16xf32>
      %mul3A_1496 = arith.mulf %mul3A_1493, %mul3A_1495 : vector<16xf32>
      %add3A_1497 = arith.constant 0.142857149 : f32
      %add3A_1498 = vector.broadcast %add3A_1497 : f32 to vector<16xf32>
      %add3A_1499 = arith.addf %add3A_1498, %mul3A_1496 : vector<16xf32>
      %mul3A_1500 = arith.mulf %mul3A_1493, %add3A_1499 : vector<16xf32>
      %add3A_1501 = arith.constant 2.000000e-01 : f32
      %add3A_1502 = vector.broadcast %add3A_1501 : f32 to vector<16xf32>
      %add3A_1503 = arith.addf %add3A_1502, %mul3A_1500 : vector<16xf32>
      %mul3A_1504 = arith.mulf %mul3A_1493, %add3A_1503 : vector<16xf32>
      %add3A_1505 = arith.constant 0.333333343 : f32
      %add3A_1506 = vector.broadcast %add3A_1505 : f32 to vector<16xf32>
      %add3A_1507 = arith.addf %add3A_1506, %mul3A_1504 : vector<16xf32>
      %mul3A_1508 = arith.mulf %mul3A_1493, %add3A_1507 : vector<16xf32>
      %add3A_1509 = arith.constant 1.000000e+00 : f32
      %add3A_1510 = vector.broadcast %add3A_1509 : f32 to vector<16xf32>
      %add3A_1511 = arith.addf %add3A_1510, %mul3A_1508 : vector<16xf32>
      %convert_element_type3A_1512 = arith.sitofp %select_n3A_1485 : vector<16xi32> to vector<16xf32>
      %mul3A_1513 = arith.constant 0.693147182 : f32
      %mul3A_1514 = vector.broadcast %mul3A_1513 : f32 to vector<16xf32>
      %mul3A_1515 = arith.mulf %convert_element_type3A_1512, %mul3A_1514 : vector<16xf32>
      %mul3A_1516 = arith.constant 2.000000e+00 : f32
      %mul3A_1517 = vector.broadcast %mul3A_1516 : f32 to vector<16xf32>
      %mul3A_1518 = arith.mulf %mul3A_1517, %div3A_1492 : vector<16xf32>
      %mul3A_1519 = arith.mulf %mul3A_1518, %add3A_1511 : vector<16xf32>
      %add3A_1520 = arith.addf %mul3A_1515, %mul3A_1519 : vector<16xf32>
      %neg3A_1521 = arith.constant 0.000000e+00 : f32
      %neg3A_1522 = vector.broadcast %neg3A_1521 : f32 to vector<16xf32>
      %neg3A_1523 = arith.subf %neg3A_1522, %add3A_1520 : vector<16xf32>
      %mul3A_1524 = arith.mulf %neg3A_1523, %select_n3A_1458 : vector<16xf32>
      %add3A_1525 = arith.addf %add3A_1435, %mul3A_1524 : vector<16xf32>
      %add3A_1526 = arith.addf %add3A_1436, %select_n3A_1458 : vector<16xf32>
      %mul3A_1527 = arith.constant 16 : i32
      %mul3A_1528 = arith.muli %add3A, %mul3A_1527 : i32
      %add3A_1529 = arith.constant 448 : i32
      %add3A_1530 = arith.addi %add3A_1529, %mul3A_1528 : i32
      %get3A_1531 = arith.index_cast %add3A_1530 : i32 to index
      %get3A_1532 = tpu.vector_load %arg5[%get3A_1531] {strides = array<i32>} : memref<512xi32, #tpu.memory_space<vmem>>, vector<16xi32>,
      %get3A_1533 = vector.shape_cast %get3A_1532 : vector<16xi32> to vector<16xi32>
      %get3A_1534 = arith.constant 224 : index
      %get3A_1535 = tpu.vector_load %arg7[%get3A_1534] {strides = array<i32>} : memref<256xi32, #tpu.memory_space<vmem>>, vector<16xi32>,
      %get3A_1536 = vector.shape_cast %get3A_1535 : vector<16xi32> to vector<16xi32>
      %ne3A_1537 = arith.constant 0 : i32
      %ne3A_1538 = vector.broadcast %ne3A_1537 : i32 to vector<16xi32>
      %ne3A_1539 = arith.cmpi ne, %get3A_1533, %ne3A_1538 : vector<16xi32>
      %ne3A_1540 = arith.constant 1 : i32
      %ne3A_1541 = vector.broadcast %ne3A_1540 : i32 to vector<16xi32>
      %ne3A_1542 = arith.cmpi ne, %get3A_1533, %ne3A_1541 : vector<16xi32>
      %and3A_1543 = arith.andi %ne3A_1539, %ne3A_1542 : vector<16xi1>
      %jit3A_1544 = arith.constant 1.000000e+00 : f32
      %jit3A_1545 = arith.constant 0.000000e+00 : f32
      %broadcast_in_dim3A_1546 = vector.broadcast %jit3A_1544 : f32 to vector<16xf32>
      %broadcast_in_dim3A_1547 = vector.broadcast %jit3A_1545 : f32 to vector<16xf32>
      %select_n3A_1548 = arith.select %and3A_1543, %broadcast_in_dim3A_1546, %broadcast_in_dim3A_1547 : vector<16xi1>, vector<16xf32>
      %shift_right_arithmetic3A_1549 = arith.constant 23 : i32
      %shift_right_arithmetic3A_1550 = vector.broadcast %shift_right_arithmetic3A_1549 : i32 to vector<16xi32>
      %shift_right_arithmetic3A_1551 = arith.shrsi %get3A_1536, %shift_right_arithmetic3A_1550 : vector<16xi32>
      %sub3A_1552 = arith.constant 127 : i32
      %sub3A_1553 = vector.broadcast %sub3A_1552 : i32 to vector<16xi32>
      %sub3A_1554 = arith.subi %shift_right_arithmetic3A_1551, %sub3A_1553 : vector<16xi32>
      %and3A_1555 = arith.constant 8388607 : i32
      %and3A_1556 = vector.broadcast %and3A_1555 : i32 to vector<16xi32>
      %and3A_1557 = arith.andi %get3A_1536, %and3A_1556 : vector<16xi32>
      %convert_element_type3A_1558 = arith.sitofp %and3A_1557 : vector<16xi32> to vector<16xf32>
      %mul3A_1559 = arith.constant 1.1920929E-7 : f32
      %mul3A_1560 = vector.broadcast %mul3A_1559 : f32 to vector<16xf32>
      %mul3A_1561 = arith.mulf %convert_element_type3A_1558, %mul3A_1560 : vector<16xf32>
      %add3A_1562 = arith.constant 1.000000e+00 : f32
      %add3A_1563 = vector.broadcast %add3A_1562 : f32 to vector<16xf32>
      %add3A_1564 = arith.addf %add3A_1563, %mul3A_1561 : vector<16xf32>
      %gt3A_1565 = arith.constant 1.41421354 : f32
      %gt3A_1566 = vector.broadcast %gt3A_1565 : f32 to vector<16xf32>
      %gt3A_1567 = arith.cmpf ogt, %add3A_1564, %gt3A_1566 : vector<16xf32>
      %mul3A_1568 = arith.constant 5.000000e-01 : f32
      %mul3A_1569 = vector.broadcast %mul3A_1568 : f32 to vector<16xf32>
      %mul3A_1570 = arith.mulf %add3A_1564, %mul3A_1569 : vector<16xf32>
      %select_n3A_1571 = arith.select %gt3A_1567, %mul3A_1570, %add3A_1564 : vector<16xi1>, vector<16xf32>
      %add3A_1572 = arith.constant 1 : i32
      %add3A_1573 = vector.broadcast %add3A_1572 : i32 to vector<16xi32>
      %add3A_1574 = arith.addi %sub3A_1554, %add3A_1573 : vector<16xi32>
      %select_n3A_1575 = arith.select %gt3A_1567, %add3A_1574, %sub3A_1554 : vector<16xi1>, vector<16xi32>
      %sub3A_1576 = arith.constant 1.000000e+00 : f32
      %sub3A_1577 = vector.broadcast %sub3A_1576 : f32 to vector<16xf32>
      %sub3A_1578 = arith.subf %select_n3A_1571, %sub3A_1577 : vector<16xf32>
      %add3A_1579 = arith.constant 1.000000e+00 : f32
      %add3A_1580 = vector.broadcast %add3A_1579 : f32 to vector<16xf32>
      %add3A_1581 = arith.addf %select_n3A_1571, %add3A_1580 : vector<16xf32>
      %div3A_1582 = arith.divf %sub3A_1578, %add3A_1581 : vector<16xf32>
      %mul3A_1583 = arith.mulf %div3A_1582, %div3A_1582 : vector<16xf32>
      %mul3A_1584 = arith.constant 0.111111112 : f32
      %mul3A_1585 = vector.broadcast %mul3A_1584 : f32 to vector<16xf32>
      %mul3A_1586 = arith.mulf %mul3A_1583, %mul3A_1585 : vector<16xf32>
      %add3A_1587 = arith.constant 0.142857149 : f32
      %add3A_1588 = vector.broadcast %add3A_1587 : f32 to vector<16xf32>
      %add3A_1589 = arith.addf %add3A_1588, %mul3A_1586 : vector<16xf32>
      %mul3A_1590 = arith.mulf %mul3A_1583, %add3A_1589 : vector<16xf32>
      %add3A_1591 = arith.constant 2.000000e-01 : f32
      %add3A_1592 = vector.broadcast %add3A_1591 : f32 to vector<16xf32>
      %add3A_1593 = arith.addf %add3A_1592, %mul3A_1590 : vector<16xf32>
      %mul3A_1594 = arith.mulf %mul3A_1583, %add3A_1593 : vector<16xf32>
      %add3A_1595 = arith.constant 0.333333343 : f32
      %add3A_1596 = vector.broadcast %add3A_1595 : f32 to vector<16xf32>
      %add3A_1597 = arith.addf %add3A_1596, %mul3A_1594 : vector<16xf32>
      %mul3A_1598 = arith.mulf %mul3A_1583, %add3A_1597 : vector<16xf32>
      %add3A_1599 = arith.constant 1.000000e+00 : f32
      %add3A_1600 = vector.broadcast %add3A_1599 : f32 to vector<16xf32>
      %add3A_1601 = arith.addf %add3A_1600, %mul3A_1598 : vector<16xf32>
      %convert_element_type3A_1602 = arith.sitofp %select_n3A_1575 : vector<16xi32> to vector<16xf32>
      %mul3A_1603 = arith.constant 0.693147182 : f32
      %mul3A_1604 = vector.broadcast %mul3A_1603 : f32 to vector<16xf32>
      %mul3A_1605 = arith.mulf %convert_element_type3A_1602, %mul3A_1604 : vector<16xf32>
      %mul3A_1606 = arith.constant 2.000000e+00 : f32
      %mul3A_1607 = vector.broadcast %mul3A_1606 : f32 to vector<16xf32>
      %mul3A_1608 = arith.mulf %mul3A_1607, %div3A_1582 : vector<16xf32>
      %mul3A_1609 = arith.mulf %mul3A_1608, %add3A_1601 : vector<16xf32>
      %add3A_1610 = arith.addf %mul3A_1605, %mul3A_1609 : vector<16xf32>
      %neg3A_1611 = arith.constant 0.000000e+00 : f32
      %neg3A_1612 = vector.broadcast %neg3A_1611 : f32 to vector<16xf32>
      %neg3A_1613 = arith.subf %neg3A_1612, %add3A_1610 : vector<16xf32>
      %mul3A_1614 = arith.mulf %neg3A_1613, %select_n3A_1548 : vector<16xf32>
      %add3A_1615 = arith.addf %add3A_1525, %mul3A_1614 : vector<16xf32>
      %add3A_1616 = arith.addf %add3A_1526, %select_n3A_1548 : vector<16xf32>
      %mul3A_1617 = arith.constant 16 : i32
      %mul3A_1618 = arith.muli %add3A, %mul3A_1617 : i32
      %add3A_1619 = arith.constant 480 : i32
      %add3A_1620 = arith.addi %add3A_1619, %mul3A_1618 : i32
      %get3A_1621 = arith.index_cast %add3A_1620 : i32 to index
      %get3A_1622 = tpu.vector_load %arg5[%get3A_1621] {strides = array<i32>} : memref<512xi32, #tpu.memory_space<vmem>>, vector<16xi32>,
      %get3A_1623 = vector.shape_cast %get3A_1622 : vector<16xi32> to vector<16xi32>
      %get3A_1624 = arith.constant 240 : index
      %get3A_1625 = tpu.vector_load %arg7[%get3A_1624] {strides = array<i32>} : memref<256xi32, #tpu.memory_space<vmem>>, vector<16xi32>,
      %get3A_1626 = vector.shape_cast %get3A_1625 : vector<16xi32> to vector<16xi32>
      %ne3A_1627 = arith.constant 0 : i32
      %ne3A_1628 = vector.broadcast %ne3A_1627 : i32 to vector<16xi32>
      %ne3A_1629 = arith.cmpi ne, %get3A_1623, %ne3A_1628 : vector<16xi32>
      %ne3A_1630 = arith.constant 1 : i32
      %ne3A_1631 = vector.broadcast %ne3A_1630 : i32 to vector<16xi32>
      %ne3A_1632 = arith.cmpi ne, %get3A_1623, %ne3A_1631 : vector<16xi32>
      %and3A_1633 = arith.andi %ne3A_1629, %ne3A_1632 : vector<16xi1>
      %jit3A_1634 = arith.constant 1.000000e+00 : f32
      %jit3A_1635 = arith.constant 0.000000e+00 : f32
      %broadcast_in_dim3A_1636 = vector.broadcast %jit3A_1634 : f32 to vector<16xf32>
      %broadcast_in_dim3A_1637 = vector.broadcast %jit3A_1635 : f32 to vector<16xf32>
      %select_n3A_1638 = arith.select %and3A_1633, %broadcast_in_dim3A_1636, %broadcast_in_dim3A_1637 : vector<16xi1>, vector<16xf32>
      %shift_right_arithmetic3A_1639 = arith.constant 23 : i32
      %shift_right_arithmetic3A_1640 = vector.broadcast %shift_right_arithmetic3A_1639 : i32 to vector<16xi32>
      %shift_right_arithmetic3A_1641 = arith.shrsi %get3A_1626, %shift_right_arithmetic3A_1640 : vector<16xi32>
      %sub3A_1642 = arith.constant 127 : i32
      %sub3A_1643 = vector.broadcast %sub3A_1642 : i32 to vector<16xi32>
      %sub3A_1644 = arith.subi %shift_right_arithmetic3A_1641, %sub3A_1643 : vector<16xi32>
      %and3A_1645 = arith.constant 8388607 : i32
      %and3A_1646 = vector.broadcast %and3A_1645 : i32 to vector<16xi32>
      %and3A_1647 = arith.andi %get3A_1626, %and3A_1646 : vector<16xi32>
      %convert_element_type3A_1648 = arith.sitofp %and3A_1647 : vector<16xi32> to vector<16xf32>
      %mul3A_1649 = arith.constant 1.1920929E-7 : f32
      %mul3A_1650 = vector.broadcast %mul3A_1649 : f32 to vector<16xf32>
      %mul3A_1651 = arith.mulf %convert_element_type3A_1648, %mul3A_1650 : vector<16xf32>
      %add3A_1652 = arith.constant 1.000000e+00 : f32
      %add3A_1653 = vector.broadcast %add3A_1652 : f32 to vector<16xf32>
      %add3A_1654 = arith.addf %add3A_1653, %mul3A_1651 : vector<16xf32>
      %gt3A_1655 = arith.constant 1.41421354 : f32
      %gt3A_1656 = vector.broadcast %gt3A_1655 : f32 to vector<16xf32>
      %gt3A_1657 = arith.cmpf ogt, %add3A_1654, %gt3A_1656 : vector<16xf32>
      %mul3A_1658 = arith.constant 5.000000e-01 : f32
      %mul3A_1659 = vector.broadcast %mul3A_1658 : f32 to vector<16xf32>
      %mul3A_1660 = arith.mulf %add3A_1654, %mul3A_1659 : vector<16xf32>
      %select_n3A_1661 = arith.select %gt3A_1657, %mul3A_1660, %add3A_1654 : vector<16xi1>, vector<16xf32>
      %add3A_1662 = arith.constant 1 : i32
      %add3A_1663 = vector.broadcast %add3A_1662 : i32 to vector<16xi32>
      %add3A_1664 = arith.addi %sub3A_1644, %add3A_1663 : vector<16xi32>
      %select_n3A_1665 = arith.select %gt3A_1657, %add3A_1664, %sub3A_1644 : vector<16xi1>, vector<16xi32>
      %sub3A_1666 = arith.constant 1.000000e+00 : f32
      %sub3A_1667 = vector.broadcast %sub3A_1666 : f32 to vector<16xf32>
      %sub3A_1668 = arith.subf %select_n3A_1661, %sub3A_1667 : vector<16xf32>
      %add3A_1669 = arith.constant 1.000000e+00 : f32
      %add3A_1670 = vector.broadcast %add3A_1669 : f32 to vector<16xf32>
      %add3A_1671 = arith.addf %select_n3A_1661, %add3A_1670 : vector<16xf32>
      %div3A_1672 = arith.divf %sub3A_1668, %add3A_1671 : vector<16xf32>
      %mul3A_1673 = arith.mulf %div3A_1672, %div3A_1672 : vector<16xf32>
      %mul3A_1674 = arith.constant 0.111111112 : f32
      %mul3A_1675 = vector.broadcast %mul3A_1674 : f32 to vector<16xf32>
      %mul3A_1676 = arith.mulf %mul3A_1673, %mul3A_1675 : vector<16xf32>
      %add3A_1677 = arith.constant 0.142857149 : f32
      %add3A_1678 = vector.broadcast %add3A_1677 : f32 to vector<16xf32>
      %add3A_1679 = arith.addf %add3A_1678, %mul3A_1676 : vector<16xf32>
      %mul3A_1680 = arith.mulf %mul3A_1673, %add3A_1679 : vector<16xf32>
      %add3A_1681 = arith.constant 2.000000e-01 : f32
      %add3A_1682 = vector.broadcast %add3A_1681 : f32 to vector<16xf32>
      %add3A_1683 = arith.addf %add3A_1682, %mul3A_1680 : vector<16xf32>
      %mul3A_1684 = arith.mulf %mul3A_1673, %add3A_1683 : vector<16xf32>
      %add3A_1685 = arith.constant 0.333333343 : f32
      %add3A_1686 = vector.broadcast %add3A_1685 : f32 to vector<16xf32>
      %add3A_1687 = arith.addf %add3A_1686, %mul3A_1684 : vector<16xf32>
      %mul3A_1688 = arith.mulf %mul3A_1673, %add3A_1687 : vector<16xf32>
      %add3A_1689 = arith.constant 1.000000e+00 : f32
      %add3A_1690 = vector.broadcast %add3A_1689 : f32 to vector<16xf32>
      %add3A_1691 = arith.addf %add3A_1690, %mul3A_1688 : vector<16xf32>
      %convert_element_type3A_1692 = arith.sitofp %select_n3A_1665 : vector<16xi32> to vector<16xf32>
      %mul3A_1693 = arith.constant 0.693147182 : f32
      %mul3A_1694 = vector.broadcast %mul3A_1693 : f32 to vector<16xf32>
      %mul3A_1695 = arith.mulf %convert_element_type3A_1692, %mul3A_1694 : vector<16xf32>
      %mul3A_1696 = arith.constant 2.000000e+00 : f32
      %mul3A_1697 = vector.broadcast %mul3A_1696 : f32 to vector<16xf32>
      %mul3A_1698 = arith.mulf %mul3A_1697, %div3A_1672 : vector<16xf32>
      %mul3A_1699 = arith.mulf %mul3A_1698, %add3A_1691 : vector<16xf32>
      %add3A_1700 = arith.addf %mul3A_1695, %mul3A_1699 : vector<16xf32>
      %neg3A_1701 = arith.constant 0.000000e+00 : f32
      %neg3A_1702 = vector.broadcast %neg3A_1701 : f32 to vector<16xf32>
      %neg3A_1703 = arith.subf %neg3A_1702, %add3A_1700 : vector<16xf32>
      %mul3A_1704 = arith.mulf %neg3A_1703, %select_n3A_1638 : vector<16xf32>
      %add3A_1705 = arith.addf %add3A_1615, %mul3A_1704 : vector<16xf32>
      %add3A_1706 = arith.addf %add3A_1616, %select_n3A_1638 : vector<16xf32>
      %div3A_1707 = arith.divf %add3A_1705, %add3A_1706 : vector<16xf32>
      %swap3A_1708 = arith.constant 0 : index
      %swap3A_1709 = tpu.vector_load %arg8[%swap3A_1708] {strides = array<i32>} : memref<16xf32, #tpu.memory_space<vmem>>, vector<16xf32>,
      %swap3A_1710 = vector.shape_cast %swap3A_1709 : vector<16xf32> to vector<16xf32>
      %swap3A_1711 = vector.shape_cast %div3A_1707 : vector<16xf32> to vector<16xf32>
      tpu.vector_store %arg8[%swap3A_1708], %swap3A_1711 {strides = array<i32>} : memref<16xf32, #tpu.memory_space<vmem>>, vector<16xf32>,
      %mul3A_1712 = arith.constant 16 : i32
      %mul3A_1713 = arith.muli %add3A, %mul3A_1712 : i32
      "tpu.region"() ({
        %run_scoped3A = tpu.sem_alloc : memref<!tpu.dma_semaphore, #tpu.memory_space<semaphore_mem>>
        %dma_start3A_1714 = tpu.memref_slice %arg4[%mul3A_1713] : memref<32xf32, #tpu.memory_space<hbm>> -> memref<16xf32, #tpu.memory_space<hbm>>
        %dma_start3A_1715 = tpu.memref_slice %arg4[%mul3A_1713] : memref<32xf32, #tpu.memory_space<hbm>> -> memref<16xf32, #tpu.memory_space<hbm>>
        tpu.enqueue_dma source(%arg8 : memref<16xf32, #tpu.memory_space<vmem>>) target(%dma_start3A_1715 : memref<16xf32, #tpu.memory_space<hbm>>) target_semaphore(%run_scoped3A : memref<!tpu.dma_semaphore, #tpu.memory_space<semaphore_mem>>)
        %dma_wait3A_1716 = tpu.memref_slice %arg4[%mul3A_1713] : memref<32xf32, #tpu.memory_space<hbm>> -> memref<16xf32, #tpu.memory_space<hbm>>
        %dma_wait3A_1717 = tpu.memref_slice %arg4[%mul3A_1713] : memref<32xf32, #tpu.memory_space<hbm>> -> memref<16xf32, #tpu.memory_space<hbm>>
        tpu.wait_dma2 semaphore(%run_scoped3A : memref<!tpu.dma_semaphore, #tpu.memory_space<semaphore_mem>>) src(%arg8 : memref<16xf32, #tpu.memory_space<vmem>>) dst(%dma_wait3A_1717 : memref<16xf32, #tpu.memory_space<hbm>>)
        tpu.yield
      }) : () -> ()
    } else {
    }
    return
  }
}

</mosaic_0001>

<sc_bundles>
// kernel: kernel.3.cloned.1.call-start
scs
__scs_entry_jumppad:
0x0: {  	(pc) =	sbr.rel $0x88, $3  }
0x1: {  	(tag) =	ssettag $0x0;
	lr =	simm.s32 $0x1  }
0x2: {  	[smem:$0x3F9F] =	sst lr;
	_ =	strace $0xD0000000  }
0x3: {  	_ = 	snop  }
0x4: {  	_ = 	snop  }
0x5: {  	_ = 	snop  }
0x6: {  	_ = 	snop  }
0x7: {  	_ = 	snop  }
__scs_overlays_trampoline_lowered:
0x8: {  	[smem:$0x3FAE] =	sst s0  }
0x9: {  	[smem:$0x3FAF] =	sst s1  }
0xa: {  	[smem:$0x3FB0] =	sst s2  }
0xb: {  	[smem:$0x3FB1] =	sst s3  }
0xc: {  	[smem:$0x3FB2] =	sst s4  }
0xd: {  	[smem:$0x3FB3] =	sst s5  }
0xe: {  	[smem:$0x3FB4] =	sst s6  }
0xf: {  	[smem:$0x3FB5] =	sst s7  }
0x10: {  	[smem:$0x3FB6] =	sst s8  }
0x11: {  	[smem:$0x3FB7] =	sst s9;
	s0 =	simm.s32 @!p0 $0x0  }
0x12: {  	s1 =	sld [smem:$0x3F9D];
	s0 =	simm.s32 @p0 $0x1  }
0x13: {  	[smem:$0x3FB8] =	sst s0;
	s0 =	simm.s32 @!p1 $0x0  }
0x14: {  	s2 =	sld [smem:$0x3F9C];
	s0 =	simm.s32 @p1 $0x1  }
0x15: {  	[smem:$0x3FB9] =	sst s0;
	s0 =	simm.s32 @!p2 $0x0  }
0x16: {  	s3 =	sld [smem:$0x3FDB];
	s0 =	simm.s32 @p2 $0x1  }
0x17: {  	s4 =	simm.s32 $0x1BF5;
	[smem:$0x3FBB] =	sst s0  }
0x18: {  	s0 =	sld [smem:$0x3F9E];
	_ =	swait.ge [sflag:s4], $0x0  }
0x19: {  	s7 =	sld [smem:$0x3F9F]  }
0x1a: {  	s8 =	sadd.s32 $0xFFFFE003, lr  }
0x1b: {  	s9 =	sadd.s32 $0xFFFFFEF7, lr;
	s5 =	simm.s32 $0xFFFFFFFF;
	p2 =	slt.u32 s8, $0xFFFFF086  }
0x1c: {  	p1 =	slt.u32 s9, $0xF7A;
	s5 =	simm.s32 @!p2 $0x0  }
0x1d: {  	s5 =	simm.s32 @p1 $0x1;
	p0 =	seq.s32 s7, s2  }
0x1e: {  	s7 =	smul.u32 @!p0 $0xF7A, s2;
	p2 =	seq.s32 @!p0 s5, $0x0  }
0x1f: {  	s9 =	smul.u32 $0xF7A, s1;
	s8 =	simm.s32 @!p0 $0x1BF5;
	p2 =	por !p2, p0  }
0x20: {  	[sflag:s8] =	ssyncset.s32 @!p0 $0xFFFFF086;
	s6 =	sadd.s32 @!p0 s3, s7;
	s7 =	simm.s32 @!p0 $0x108  }
0x21: {  	s3 =	sadd.s32 s3, s9;
	s6 =	sadd.s32 @!p0 $0x88, s6;
	s7 =	simm.s32 @p2 $0x1082  }
0x22: {  	[simem:s7], [sflag:s8] =	dma.local @!p0 [hbm:s6], $0xF7A  }
0x23: {  	s9 =	sor.u32 $0xD0000000, s2;
	s6 =	simm.s32 $0x108;
	_ =	swait.ge @!p0 [sflag:s8], $0x0  }
0x24: {  	s3 =	sadd.s32 $0x88, s3;
	s6 =	simm.s32 @!p1 $0x1082;
	[sflag:s4] =	ssyncset.s32 $0xFFFFF086  }
0x25: {  	[simem:s6], [sflag:s4] =	dma.local [hbm:s3], $0xF7A  }
0x26: {  	[smem:$0x3F9F] =	sst s1;
	(tag) =	ssettag s2;
	_ =	strace s9  }
0x27: {  	s1 =	sld [smem:$0x3FAF]  }
0x28: {  	s2 =	sld [smem:$0x3FB0]  }
0x29: {  	s4 =	sld [smem:$0x3FB2]  }
0x2a: {  	p0 =	seq.s32 s5, $0x0;
	s5 =	sld [smem:$0x3FB3]  }
0x2b: {  	s6 =	sld [smem:$0x3FB4]  }
0x2c: {  	s7 =	sld [smem:$0x3FB5]  }
0x2d: {  	s3 =	simm.s32 $0x108;
	s8 =	sld [smem:$0x3FB6]  }
0x2e: {  	s3 =	simm.s32 @!p0 $0x1082;
	s9 =	sld [smem:$0x3FB7]  }
0x2f: {  	lr =	sadd.s32 s0, s3;
	s0 =	sld [smem:$0x3FAE]  }
0x30: {  	s3 =	sld [smem:$0x3FB1]  }
0x31: {  	[smem:$0x3FBA] =	sst s10  }
0x32: {  	s10 =	sld [smem:$0x3FB8];
	_ =	sdelay $0x3  }
0x33: {  	p0 =	seq.s32 s10, $0x1;
	s10 =	sld [smem:$0x3FBA];
	_ =	sdelay $0x3  }
0x34: {  	[smem:$0x3FBA] =	sst s10  }
0x35: {  	s10 =	sld [smem:$0x3FB9];
	_ =	sdelay $0x3  }
0x36: {  	p1 =	seq.s32 s10, $0x1;
	s10 =	sld [smem:$0x3FBA];
	_ =	sdelay $0x3  }
0x37: {  	[smem:$0x3FBA] =	sst s10  }
0x38: {  	s10 =	sld [smem:$0x3FBB]  }
0x39: {  	_ = 	snop;
	(pc) =	sbr.ind lr, $3  }
0x3a: {  	_ = 	snop  }
0x3b: {  	_ = 	snop  }
0x3c: {  	p2 =	seq.s32 s10, $0x1;
	s10 =	sld [smem:$0x3FBA]  }
0x3d: {  	_ =	shalt  }
0x3e: {  	_ =	shalt  }
0x3f: {  	_ =	shalt  }
0x40: {  	_ =	shalt  }
0x41: {  	_ =	shalt  }
0x42: {  	_ =	shalt  }
0x43: {  	_ =	shalt  }
0x44: {  	_ =	shalt  }
0x45: {  	_ =	shalt  }
0x46: {  	_ =	shalt  }
0x47: {  	_ =	shalt  }
0x48: {  	_ =	shalt  }
0x49: {  	_ =	shalt  }
0x4a: {  	_ =	shalt  }
0x4b: {  	_ =	shalt  }
0x4c: {  	_ =	shalt  }
0x4d: {  	_ =	shalt  }
0x4e: {  	_ =	shalt  }
0x4f: {  	_ =	shalt  }
0x50: {  	_ =	shalt  }
0x51: {  	_ =	shalt  }
0x52: {  	_ =	shalt  }
0x53: {  	_ =	shalt  }
0x54: {  	_ =	shalt  }
0x55: {  	_ =	shalt  }
0x56: {  	_ =	shalt  }
0x57: {  	_ =	shalt  }
0x58: {  	_ =	shalt  }
0x59: {  	_ =	shalt  }
0x5a: {  	_ =	shalt  }
0x5b: {  	_ =	shalt  }
0x5c: {  	_ =	shalt  }
0x5d: {  	_ =	shalt  }
0x5e: {  	_ =	shalt  }
0x5f: {  	_ =	shalt  }
0x60: {  	_ =	shalt  }
0x61: {  	_ =	shalt  }
0x62: {  	_ =	shalt  }
0x63: {  	_ =	shalt  }
0x64: {  	_ =	shalt  }
0x65: {  	_ =	shalt  }
0x66: {  	_ =	shalt  }
0x67: {  	_ =	shalt  }
0x68: {  	_ =	shalt  }
0x69: {  	_ =	shalt  }
0x6a: {  	_ =	shalt  }
0x6b: {  	_ =	shalt  }
0x6c: {  	_ =	shalt  }
0x6d: {  	_ =	shalt  }
0x6e: {  	_ =	shalt  }
0x6f: {  	_ =	shalt  }
0x70: {  	_ =	shalt  }
0x71: {  	_ =	shalt  }
0x72: {  	_ =	shalt  }
0x73: {  	_ =	shalt  }
0x74: {  	_ =	shalt  }
0x75: {  	_ =	shalt  }
0x76: {  	_ =	shalt  }
0x77: {  	_ =	shalt  }
0x78: {  	_ =	shalt  }
0x79: {  	_ =	shalt  }
0x7a: {  	_ =	shalt  }
0x7b: {  	_ =	shalt  }
0x7c: {  	_ =	shalt  }
0x7d: {  	_ =	shalt  }
0x7e: {  	_ =	shalt  }
0x7f: {  	_ =	shalt  }
0x80: {  	_ =	shalt  }
0x81: {  	_ =	shalt  }
0x82: {  	_ =	shalt  }
0x83: {  	_ =	shalt  }
0x84: {  	_ =	shalt  }
0x85: {  	_ =	shalt  }
0x86: {  	_ =	shalt  }
0x87: {  	_ =	shalt  }
.Lfunc_end0:
.L_simem_size_0:
called_computation_lowered:
.L_overlay_start_0:
0x88: {  	s2 =	sld [smem:$0x3FD9]  }
0x89: {  	s3 =	sld [smem:$0x3FFE];
	_ =	sdelay $0x1  }
0x8a: {  	s1 =	srdreg.scid  }
0x8b: {  	s0 =	sand.u32 $0x1, s1  }
0x8c: {  	s17 =	sshll.u32 s0, $0xA;
	s2 =	sadd.s32 s3, s2  }
0x8d: {  	s2 =	sadd.s32 s2, s17  }
0x8e: {  	[smem:$0x3FC6] =	sst s2  }
0x8f: {  	_ = 	snop  }
0x90: {  	s2 =	sld [smem:$0x3FD0];
	(tm) =	ssettm $0x1  }
0x91: {  	s18 =	sld [smem:$0x3FFB];
	_ =	sdelay $0x3  }
0x92: {  	_ =	strace s18  }
0x93: {  	s3 =	sld [smem:$0x3FFC];
	_ =	sdelay $0x3  }
0x94: {  	_ =	strace s3  }
0x95: {  	s3 =	sld [smem:$0x3FFD];
	_ =	sdelay $0x3  }
0x96: {  	_ =	strace s3  }
0x97: {  	_ =	strace $0x8FFFFFFF  }
0x98: {  	s19 =	sld [smem:$0x3FDB];
	_ =	sdelay $0x1  }
0x99: {  	s4 =	simm.s32 $_scs_section_size  }
0x9a: {  	s5 =	simm.s32 $_size__tile_overlayer_lowered;
	s6 =	simm.s32 $_tile_overlayer_lowered  }
0x9b: {  	s22 =	simm.s32 $0x1BFF;
	s21 =	sshll.u32 s6, $0x1;
	s3 =	sadd.s32 s4, s19  }
0x9c: {  	s7 =	simm.s32 $0x0;
	s20 =	sshll.u32 s5, $0x1;
	s5 =	sadd.s32 s21, s3  }
0x9d: {  	[timem:s7], [sflag:s22] =	dma.local [hbm:s5], s20  }
0x9e: {  	_ =	swait.ge [sflag:s22], s20  }
0x9f: {  	s4 =	ssub.s32 $0x0, s20;
	[sflag:s22] =	ssyncset.done $0x0  }
0xa0: {  	[sflag:s22] =	ssyncadd.s32 s4;
	_ =	sdelay $0x1  }
0xa1: {  	s23 =	simm.s32 $0x1B8B  }
0xa2: {  	_ =	swait.ge [sflag:s23], $0x1  }
0xa3: {  	[sflag:s23] =	ssyncset.done $0x0  }
0xa4: {  	s25 =	simm.s32 $0x1B8E;
	s24 =	sld [smem:$0x3FFE];
	[sflag:s23] =	ssyncadd.s32 $0xFFFFFFFF  }
0xa5: {  	s26 =	simm.s32 $execute0_lowered;
	[smem:$0x3FD2] =	sst s25  }
0xa6: {  	s5 =	sshll.u32 s26, $0x1;
	_ =	strace $0x80000046;
	[dreg:$0x1] =	wrdreg $0xFFFFFFFF  }
0xa7: {  	s28 =	simm.s32 $_size_execute0_lowered;
	s3 =	sadd.s32 s3, s5;
	[dreg:$0x0] =	wrdreg $0x0  }
0xa8: {  	s5 =	sshll.u32 s28, $0x1;
	[dreg:$0x2] =	wrdreg s3  }
0xa9: {  	[dreg:$0x3] =	wrdreg s5  }
0xaa: {  	[dreg:$0x4] =	wrdreg $0xC0  }
0xab: {  	_ =	task [dreg:s7], $0x5FFFF  }
0xac: {  	[dreg:$0x1] =	wrdreg $0xFFFFFFFF  }
0xad: {  	[dreg:$0x0] =	wrdreg $0x60  }
0xae: {  	[dreg:$0x2] =	wrdreg s24  }
0xaf: {  	[dreg:$0x3] =	wrdreg s2  }
0xb0: {  	[dreg:$0x4] =	wrdreg $0x9  }
0xb1: {  	_ =	task.clear_ibuf [dreg:s7], $0x5FFFF;
	_ =	strace $0x90000046  }
0xb2: {  	s29 =	simm.s32 $0x9;
	_ =	strace $0x80000048  }
0xb3: {  	_ =	swait.ge [sflag:s29], $0x1  }
0xb4: {  	[sflag:s29] =	ssyncadd.s32 $0xFFFFFFFF  }
0xb5: {  	_ =	strace $0x90000048  }
0xb6: {  	_ =	sfence  }
0xb7: {  	s30 =	sld [smem:$0x0];
	_ =	sdelay $0x2  }
0xb8: {  	s31 =	sshll.u32 s1, $0xD;
	s1 =	sshrl.u32 s1, $0x2  }
0xb9: {  	s3 =	sand.u32 $0x4000, s31;
	s1 =	sadd.s32 s1, s30  }
0xba: {  	s0 =	sor.u32 s3, s0;
	s1 =	sshll.u32 s1, $0x11  }
0xbb: {  	s0 =	sor.u32 s1, s0  }
0xbc: {  	s0 =	sadd.s32 $0x8F2B, s0  }
0xbd: {  	[sflag:s0] =	ssyncadd.remote.s32 $0x1  }
0xbe: {  	_ =	sfence.sel $0xFFFF  }
0xbf: {  	[dreg:$0x0] =	wrdreg $0xFFFFFFFF;
	(pc) =	sbr.abs _section_cstart, $3  }
0xc0: {  	[dreg:$0x1] =	wrdreg $0xFFFFFFFF  }
0xc1: {  	_ =	task.clear_ibuf [dreg:s7], $0x2FFFF;
	_ =	strace $0x9FFFFFFF  }
0xc2: {  	(tm) =	ssettm $0x7FFFFFFF  }
0xc3: {  	_ =	shalt  }
tec
execute0_lowered:
.L_overlay_start_1:
0x0: {  	(tag) =	ssettag $0x1  }
0x1: {  	s2 =	stileid.u32  }
0x2: {  	p0 =	sne.s32 s2, $0x0  }
.Ltmp0:
0x3: {  	_ = 	snop;
	(pc) =	sbr.rel @p0 .LBB2_3-.Ltmp0, $4  }
0x4: {  	s4 =	rddreg [dreg:$0x0]  }
0x5: {  	s5 =	rddreg [dreg:$0x1];
	s1 =	simm.s32 $0x0  }
0x6: {  	[smem:$0x7FF] =	sst s1  }
0x7: {  	s0 =	rddreg [dreg:$0x2];
	_ =	strace $0x80000047  }
0x8: {  	s2 =	srdreg.scid;
	v1 =	vlaneseq.u32  }
0x9: {  	s6 =	sand.u32 $0x1, s2;
	v16 =	vmul.u32 $0x186A00, v1  }
0xa: {  	s2 =	sshll.u32 s6, $0x4  }
0xb: {  	v17 =	vimm.s32 $0xFFFFFF81;
	v0 =	vmov s2;
	v1 =	vadd.s32 $0x186A0, v16  }
0xc: {  	v2 =	vadd.s32 $0x30D40, v16;
	v3 =	vadd.s32 $0x493E0, v16;
	v4 =	vadd.s32 $0x61A80, v16  }
0xd: {  	v5 =	vadd.s32 $0x7A120, v16;
	v6 =	vadd.s32 $0x927C0, v16;
	v0 =	vmul.u32 $0x186A00, v0  }
0xe: {  	v7 =	vadd.s32 $0xAAE60, v16;
	v8 =	vadd.s32 $0xC3500, v16;
	v9 =	vadd.s32 $0xDBBA0, v16  }
0xf: {  	v10 =	vadd.s32 $0xF4240, v16;
	v11 =	vadd.s32 $0x10C8E0, v16;
	v15 =	vbroadcast v0, $0x0  }
0x10: {  	v12 =	vadd.s32 $0x124F80, v16;
	v13 =	vadd.s32 $0x13D620, v16;
	v14 =	vadd.s32 $0x155CC0, v16  }
0x11: {  	s3 =	sadd.s32 $0x61C600, s4;
	v0 =	vadd.s32 v16, v15;
	v1 =	vadd.s32 v1, v15;
	v2 =	vadd.s32 v2, v15  }
0x12: {  	s4 =	sadd.s32 $0x600, s4;
	s9 =	simm.s32 $0x200;
	s10 =	simm.s32 $0x300;
	v3 =	vadd.s32 v3, v15;
	v4 =	vadd.s32 v4, v15;
	v5 =	vadd.s32 v5, v15  }
0x13: {  	s11 =	simm.s32 $0x280;
	s12 =	simm.s32 $0x380;
	s7 =	ssub.s32 $0x2, s6;
	v6 =	vadd.s32 v6, v15;
	v7 =	vadd.s32 v7, v15;
	v8 =	vadd.s32 v8, v15  }
0x14: {  	s13 =	simm.s32 $0x1;
	s6 =	sshll.u32 s6, $0x1;
	s8 =	sshrl.u32 s7, $0x1;
	v9 =	vadd.s32 v9, v15;
	v10 =	vadd.s32 v10, v15;
	v11 =	vadd.s32 v11, v15  }
0x15: {  	s14 =	simm.s32 $0x400;
	s5 =	sadd.s32 s5, s6;
	s31 =	ssub.s32 s7, s8;
	v12 =	vadd.s32 v12, v15;
	v13 =	vadd.s32 v13, v15;
	v16 =	vadd.s32 $0x16E360, v16  }
0x16: {  	s7 =	simm.s32 $0x2;
	s8 =	simm.s32 $0x80;
	s6 =	smax.u32 s31, $0x1;
	v14 =	vadd.s32 v14, v15;
	v15 =	vadd.s32 v16, v15;
	v16 =	vimm.f32 $0.0e+00  }
.LBB2_2:
0x17: {  	[tilespmem:s1], [sflag:$0x2] =	stream.linear.gather [hbm4b:s4+s1], $0x200, $0x38;
	[tilespmem:$0x480] =	vst v63  }
0x18: {  	_ =	swait.ge [sflag:s7], $0x200  }
0x19: {  	[sflag:s7] =	ssyncset.done $0x0  }
0x1a: {  	[sflag:s7] =	ssyncadd.s32 $0xFFFFFE00  }
0x1b: {  	v18 =	vld [tilespmem:s2+$0x0];
	_ =	sdelay $0x4  }
0x1c: {  	v18 =	vadd.s32 v18, v0  }
0x1d: {  	[tilespmem:$0x200] =	vst v18  }
0x1e: {  	v18 =	vld [tilespmem:s2+$0x20];
	_ =	sdelay $0x4  }
0x1f: {  	v18 =	vadd.s32 v18, v1  }
0x20: {  	[tilespmem:$0x210] =	vst v18  }
0x21: {  	v18 =	vld [tilespmem:s2+$0x40];
	_ =	sdelay $0x4  }
0x22: {  	v18 =	vadd.s32 v18, v2  }
0x23: {  	[tilespmem:$0x220] =	vst v18  }
0x24: {  	v18 =	vld [tilespmem:s2+$0x60];
	_ =	sdelay $0x4  }
0x25: {  	v18 =	vadd.s32 v18, v3  }
0x26: {  	[tilespmem:$0x230] =	vst v18  }
0x27: {  	v18 =	vld [tilespmem:s2+$0x80];
	_ =	sdelay $0x4  }
0x28: {  	v18 =	vadd.s32 v18, v4  }
0x29: {  	[tilespmem:$0x240] =	vst v18  }
0x2a: {  	v18 =	vld [tilespmem:s2+$0xA0];
	_ =	sdelay $0x4  }
0x2b: {  	v18 =	vadd.s32 v18, v5  }
0x2c: {  	[tilespmem:$0x250] =	vst v18  }
0x2d: {  	v18 =	vld [tilespmem:s2+$0xC0];
	_ =	sdelay $0x4  }
0x2e: {  	v18 =	vadd.s32 v18, v6  }
0x2f: {  	[tilespmem:$0x260] =	vst v18  }
0x30: {  	v18 =	vld [tilespmem:s2+$0xE0];
	_ =	sdelay $0x4  }
0x31: {  	v18 =	vadd.s32 v18, v7  }
0x32: {  	[tilespmem:$0x270] =	vst v18  }
0x33: {  	v18 =	vld [tilespmem:s2+$0x100];
	_ =	sdelay $0x4  }
0x34: {  	v18 =	vadd.s32 v18, v8  }
0x35: {  	[tilespmem:$0x280] =	vst v18  }
0x36: {  	v18 =	vld [tilespmem:s2+$0x120];
	_ =	sdelay $0x4  }
0x37: {  	v18 =	vadd.s32 v18, v9  }
0x38: {  	[tilespmem:$0x290] =	vst v18  }
0x39: {  	v18 =	vld [tilespmem:s2+$0x140];
	_ =	sdelay $0x4  }
0x3a: {  	v18 =	vadd.s32 v18, v10  }
0x3b: {  	[tilespmem:$0x2A0] =	vst v18  }
0x3c: {  	v18 =	vld [tilespmem:s2+$0x160];
	_ =	sdelay $0x4  }
0x3d: {  	v18 =	vadd.s32 v18, v11  }
0x3e: {  	[tilespmem:$0x2B0] =	vst v18  }
0x3f: {  	v18 =	vld [tilespmem:s2+$0x180];
	_ =	sdelay $0x4  }
0x40: {  	v18 =	vadd.s32 v18, v12  }
0x41: {  	[tilespmem:$0x2C0] =	vst v18  }
0x42: {  	v18 =	vld [tilespmem:s2+$0x1A0];
	_ =	sdelay $0x4  }
0x43: {  	v18 =	vadd.s32 v18, v13  }
0x44: {  	[tilespmem:$0x2D0] =	vst v18  }
0x45: {  	v18 =	vld [tilespmem:s2+$0x1C0];
	_ =	sdelay $0x4  }
0x46: {  	v18 =	vadd.s32 v18, v14  }
0x47: {  	[tilespmem:$0x2E0] =	vst v18  }
0x48: {  	v18 =	vld [tilespmem:s2+$0x1E0];
	_ =	sdelay $0x4  }
0x49: {  	v18 =	vadd.s32 v18, v15  }
0x4a: {  	[tilespmem:$0x2F0] =	vst v18  }
0x4b: {  	[tilespmem:s10], [sflag:$0x1] =	stream.indirect.gather [hbm4b:s3+s8], $0x1, s9, s8, $0xb8;
	[tilespmem:$0x480] =	vst v63  }
0x4c: {  	_ = 	snop  }
0x4d: {  	[tilespmem:s12], [sflag:$0x1] =	stream.indirect.gather [hbm4b:s3+s8], $0x1, s11, s8, $0xb8;
	[tilespmem:$0x480] =	vst v63  }
0x4e: {  	_ =	swait.ge [sflag:s13], $0x80  }
0x4f: {  	[sflag:s13] =	ssyncset.done $0x0  }
0x50: {  	[sflag:s13] =	ssyncadd.s32 $0xFFFFFF80  }
0x51: {  	_ =	swait.ge [sflag:s13], $0x80  }
0x52: {  	[sflag:s13] =	ssyncset.done $0x0  }
0x53: {  	[sflag:s13] =	ssyncadd.s32 $0xFFFFFF80  }
0x54: {  	v18 =	vld [tilespmem:$0x300];
	_ =	sdelay $0x4  }
0x55: {  	v19 =	vand.u32 $0x7FFFFF, v18  }
0x56: {  	v19 =	vcvt.s32.f32 v19;
	_ =	sdelay $0x1  }
0x57: {  	v19 =	vmul.f32 $1.192092900e-07, v19;
	_ =	sdelay $0x1  }
0x58: {  	v22 =	vld [tilespmem:$0x310];
	v19 =	vadd.f32 $1.000000000e+00, v19  }
0x59: {  	v23 =	vld [tilespmem:$0x320]  }
0x5a: {  	v20 =	vmul.f32 $5.000000000e-01, v19  }
0x5b: {  	vm1 =	vgt.f32 v19, $1.414213540e+00  }
0x5c: {  	v19 =	vsel vm1, v20, v19  }
0x5d: {  	v21 =	vand.u32 $0x7FFFFF, v22;
	v20 =	vadd.f32 $1.000000000e+00, v19  }
0x5e: {  	v47 =	vand.u32 $0x7FFFFF, v23;
	v44 =	vcvt.s32.f32 v21  }
0x5f: {  	v21 =	vcvt.s32.f32 v47;
	(erf) = vrcp.f32 v20  }
0x60: {  	v20 =	vmul.f32 $1.192092900e-07, v44  }
0x61: {  	v21 =	vmul.f32 $1.192092900e-07, v21  }
0x62: {  	v20 =	vadd.f32 $1.000000000e+00, v20  }
0x63: {  	v26 =	vadd.f32 $1.000000000e+00, v21  }
0x64: {  	v21 =	vld [tilespmem:$0x330];
	v45 =	vmul.f32 $5.000000000e-01, v20  }
0x65: {  	v27 =	vmul.f32 $5.000000000e-01, v26;
	vm2 =	vgt.f32 v20, $1.414213540e+00  }
0x66: {  	vm0 =	vgt.f32 v26, $1.414213540e+00;
	v20 =	vsel vm2, v45, v20  }
0x67: {  	v26 =	vsel vm0, v27, v26;
	v19 =	vadd.f32 $-1.000000000e+00, v19;
	v24 =	vadd.f32 $1.000000000e+00, v20  }
0x68: {  	v31 =	vld [tilespmem:s2+$0x0];
	v28 =	vadd.f32 $1.000000000e+00, v26;
	v46 =	vpop (erf)  }
0x69: {  	v33 =	vld [tilespmem:s2+$0x20];
	v52 =	vand.u32 $0x7FFFFF, v21;
	(erf) = vrcp.f32 v24;
	v19 =	vmul.f32 v46, v19  }
0x6a: {  	v35 =	vld [tilespmem:s2+$0x40];
	(erf) = vrcp.f32 v28;
	v28 =	vcvt.s32.f32 v52;
	_ =	sdelay $0x1  }
0x6b: {  	v48 =	vmul.f32 v19, v19;
	v28 =	vmul.f32 $1.192092900e-07, v28  }
0x6c: {  	v18 =	vshra.s32 v18, $0x17;
	vm3 =	vgt.u32 v31, $0x1  }
0x6d: {  	v22 =	vshra.s32 v22, $0x17;
	v25 =	vmul.f32 $1.111111120e-01, v48;
	v28 =	vadd.f32 $1.000000000e+00, v28  }
0x6e: {  	vm12 =	vgt.u32 v33, $0x1;
	v23 =	vshra.s32 v23, $0x17;
	vm14 =	vgt.u32 v35, $0x1  }
0x6f: {  	v57 =	vsel vm3, $0x3F800000, v16;
	v25 =	vadd.f32 $1.428571490e-01, v25;
	v53 =	vmul.f32 $5.000000000e-01, v28  }
0x70: {  	v33 =	vsel vm12, $0x3F800000, v16;
	v20 =	vadd.f32 $-1.000000000e+00, v20;
	vm10 =	vgt.f32 v28, $1.414213540e+00  }
0x71: {  	v47 =	vadd.f32 v33, v57;
	v25 =	vmul.f32 v25, v48;
	v49 =	vpop (erf);
	v28 =	vsel vm10, v53, v28  }
0x72: {  	v30 =	vsel vm1, $0xFFFFFF82, v17;
	v27 =	vmul.f32 v49, v20;
	v55 =	vadd.f32 $1.000000000e+00, v28  }
0x73: {  	v38 =	vsel vm0, $0xFFFFFF82, v17;
	v18 =	vadd.s32 v18, v30;
	v25 =	vadd.f32 $2.000000030e-01, v25  }
0x74: {  	v23 =	vadd.s32 v23, v38;
	v51 =	vmul.f32 v27, v27;
	(erf) = vrcp.f32 v55  }
0x75: {  	v18 =	vcvt.s32.f32 v18;
	v26 =	vadd.f32 $-1.000000000e+00, v26;
	v50 =	vmul.f32 v25, v48  }
0x76: {  	v23 =	vcvt.s32.f32 v23;
	v21 =	vshra.s32 v21, $0x17;
	v29 =	vmul.f32 $1.111111120e-01, v51  }
0x77: {  	v18 =	vmul.f32 $6.931471820e-01, v18;
	v58 =	vsel vm2, $0xFFFFFF82, v17;
	v20 =	vadd.f32 $3.333333430e-01, v50  }
0x78: {  	v23 =	vmul.f32 $6.931471820e-01, v23;
	v22 =	vadd.s32 v22, v58;
	v50 =	vld [tilespmem:s2+$0x60];
	v29 =	vadd.f32 $1.428571490e-01, v29  }
0x79: {  	v45 =	vsel vm14, $0x3F800000, v16;
	v22 =	vcvt.s32.f32 v22;
	v32 =	vpop (erf);
	v24 =	vmul.f32 v20, v48;
	v20 =	vld [tilespmem:$0x340]  }
0x7a: {  	v19 =	vadd.f32 v19, v19;
	v26 =	vmul.f32 v32, v26;
	v29 =	vmul.f32 v29, v51  }
0x7b: {  	v22 =	vmul.f32 $6.931471820e-01, v22;
	v28 =	vadd.f32 $-1.000000000e+00, v28;
	v24 =	vadd.f32 $1.000000000e+00, v24  }
0x7c: {  	v27 =	vadd.f32 v27, v27;
	v32 =	vmul.f32 v26, v26;
	v29 =	vadd.f32 $2.000000030e-01, v29  }
0x7d: {  	v26 =	vadd.f32 v26, v26;
	vm7 =	vgt.u32 v50, $0x1;
	v19 =	vmul.f32 v24, v19;
	v34 =	vpop (erf)  }
0x7e: {  	v54 =	vand.u32 $0x7FFFFF, v20;
	v29 =	vmul.f32 v29, v51;
	v63 =	vmul.f32 v34, v28  }
0x7f: {  	v30 =	vcvt.s32.f32 v54;
	v18 =	vadd.f32 v19, v18;
	v19 =	vmul.f32 $1.111111120e-01, v32  }
0x80: {  	v20 =	vshra.s32 v20, $0x17;
	v54 =	vsel vm10, $0xFFFFFF82, v17;
	v29 =	vadd.f32 $3.333333430e-01, v29  }
0x81: {  	v21 =	vadd.s32 v21, v54;
	v56 =	vmul.f32 $1.192092900e-07, v30;
	v19 =	vadd.f32 $1.428571490e-01, v19  }
0x82: {  	v37 =	vmul.f32 v63, v63;
	v18 =	vsub.f32 $0.0e+00, v18;
	v21 =	vcvt.s32.f32 v21  }
0x83: {  	v25 =	vmul.f32 v29, v51;
	v24 =	vadd.f32 $1.000000000e+00, v56;
	v60 =	vmul.f32 v19, v32;
	v19 =	vld [tilespmem:$0x350]  }
0x84: {  	v30 =	vsel vm7, $0x3F800000, v16;
	v39 =	vmul.f32 $1.111111120e-01, v37;
	v61 =	vmul.f32 v18, v57  }
0x85: {  	v25 =	vadd.f32 $1.000000000e+00, v25;
	v59 =	vmul.f32 $5.000000000e-01, v24;
	v18 =	vadd.f32 $2.000000030e-01, v60  }
0x86: {  	v31 =	vadd.f32 $1.428571490e-01, v39;
	vm11 =	vgt.f32 v24, $1.414213540e+00;
	v29 =	vadd.f32 $0.0e+00, v61  }
0x87: {  	v25 =	vmul.f32 v25, v27;
	v24 =	vsel vm11, v59, v24;
	v18 =	vmul.f32 v18, v32  }
0x88: {  	v31 =	vmul.f32 v31, v37;
	v62 =	vadd.f32 $1.000000000e+00, v24;
	v36 =	vand.u32 $0x7FFFFF, v19  }
0x89: {  	v27 =	vadd.f32 v63, v63;
	v18 =	vadd.f32 $3.333333430e-01, v18;
	v28 =	vcvt.s32.f32 v36  }
0x8a: {  	v60 =	vsel vm11, $0xFFFFFF82, v17;
	v22 =	vadd.f32 v25, v22;
	(erf) = vrcp.f32 v62  }
0x8b: {  	v20 =	vadd.s32 v20, v60;
	v32 =	vmul.f32 v18, v32;
	v28 =	vmul.f32 $1.192092900e-07, v28  }
0x8c: {  	v24 =	vadd.f32 $-1.000000000e+00, v24;
	v20 =	vcvt.s32.f32 v20;
	v22 =	vsub.f32 $0.0e+00, v22;
	v18 =	vld [tilespmem:$0x360]  }
0x8d: {  	v21 =	vmul.f32 $6.931471820e-01, v21;
	v32 =	vadd.f32 $1.000000000e+00, v32;
	v28 =	vadd.f32 $1.000000000e+00, v28  }
0x8e: {  	v43 =	vadd.f32 $2.000000030e-01, v31;
	v20 =	vmul.f32 $6.931471820e-01, v20;
	v22 =	vmul.f32 v22, v33  }
0x8f: {  	v19 =	vshra.s32 v19, $0x17;
	v40 =	vmul.f32 $5.000000000e-01, v28;
	v26 =	vmul.f32 v32, v26  }
0x90: {  	v22 =	vadd.f32 v22, v29;
	v29 =	vadd.f32 v45, v47;
	vm13 =	vgt.f32 v28, $1.414213540e+00  }
0x91: {  	v42 =	vand.u32 $0x7FFFFF, v18;
	v28 =	vsel vm13, v40, v28;
	v23 =	vadd.f32 v26, v23;
	v40 =	vld [tilespmem:s2+$0x80]  }
0x92: {  	v29 =	vadd.f32 v30, v29;
	v32 =	vcvt.s32.f32 v42;
	v26 =	vmul.f32 v43, v37;
	v43 =	vld [tilespmem:s2+$0xA0]  }
0x93: {  	v18 =	vshra.s32 v18, $0x17;
	v34 =	vadd.f32 $1.000000000e+00, v28;
	v41 =	vpop (erf);
	v23 =	vsub.f32 $0.0e+00, v23  }
0x94: {  	v32 =	vmul.f32 $1.192092900e-07, v32;
	v26 =	vadd.f32 $3.333333430e-01, v26;
	v24 =	vmul.f32 v41, v24  }
0x95: {  	v28 =	vadd.f32 $-1.000000000e+00, v28;
	(erf) = vrcp.f32 v34;
	v23 =	vmul.f32 v23, v45  }
0x96: {  	v32 =	vadd.f32 $1.000000000e+00, v32;
	v51 =	vmul.f32 v26, v37;
	v44 =	vmul.f32 v24, v24  }
0x97: {  	v24 =	vadd.f32 v24, v24;
	vm9 =	vgt.u32 v40, $0x1;
	vm4 =	vgt.u32 v43, $0x1  }
0x98: {  	v49 =	vmul.f32 $5.000000000e-01, v32;
	v23 =	vadd.f32 v23, v22;
	v46 =	vmul.f32 $1.111111120e-01, v44  }
0x99: {  	vm15 =	vgt.f32 v32, $1.414213540e+00;
	v55 =	vadd.f32 $1.000000000e+00, v51;
	v22 =	vld [tilespmem:$0x370];
	v34 =	vsel vm9, $0x3F800000, v16  }
0x9a: {  	v51 =	vsel vm13, $0xFFFFFF82, v17;
	v38 =	vsel vm4, $0x3F800000, v16;
	v48 =	vadd.f32 $1.428571490e-01, v46  }
0x9b: {  	v19 =	vadd.s32 v19, v51;
	v53 =	vsel vm15, v49, v32;
	v27 =	vmul.f32 v55, v27  }
0x9c: {  	v29 =	vadd.f32 v34, v29;
	v33 =	vadd.f32 $1.000000000e+00, v53;
	v52 =	vmul.f32 v48, v44  }
0x9d: {  	v19 =	vcvt.s32.f32 v19;
	v26 =	vadd.f32 $-1.000000000e+00, v53;
	v53 =	vld [tilespmem:s2+$0xC0];
	v21 =	vadd.f32 v27, v21  }
0x9e: {  	(erf) = vrcp.f32 v33;
	v58 =	vand.u32 $0x7FFFFF, v22;
	v56 =	vpop (erf);
	v25 =	vadd.f32 $2.000000030e-01, v52  }
0x9f: {  	v29 =	vadd.f32 v38, v29;
	v59 =	vcvt.s32.f32 v58;
	v28 =	vmul.f32 v56, v28  }
0xa0: {  	v19 =	vmul.f32 $6.931471820e-01, v19;
	v62 =	vsub.f32 $0.0e+00, v21;
	v25 =	vmul.f32 v25, v44  }
0xa1: {  	v22 =	vshra.s32 v22, $0x17;
	v21 =	vld [tilespmem:$0x380];
	v27 =	vmul.f32 $1.192092900e-07, v59;
	v57 =	vmul.f32 v28, v28  }
0xa2: {  	v63 =	vmul.f32 v62, v30;
	vm11 =	vgt.u32 v53, $0x1;
	v25 =	vadd.f32 $3.333333430e-01, v25  }
0xa3: {  	v28 =	vadd.f32 v28, v28;
	v27 =	vadd.f32 $1.000000000e+00, v27;
	v61 =	vmul.f32 $1.111111120e-01, v57  }
0xa4: {  	v55 =	vsel vm11, $0x3F800000, v16;
	v23 =	vadd.f32 v63, v23;
	v25 =	vmul.f32 v25, v44  }
0xa5: {  	v41 =	vmul.f32 $5.000000000e-01, v27;
	vm8 =	vgt.f32 v27, $1.414213540e+00;
	v31 =	vadd.f32 $1.428571490e-01, v61  }
0xa6: {  	v44 =	vand.u32 $0x7FFFFF, v21;
	v40 =	vsel vm8, $0xFFFFFF82, v17;
	v25 =	vadd.f32 $1.000000000e+00, v25  }
0xa7: {  	v21 =	vshra.s32 v21, $0x17;
	v39 =	vpop (erf);
	v35 =	vcvt.s32.f32 v44;
	v31 =	vmul.f32 v31, v57  }
0xa8: {  	v27 =	vsel vm8, v41, v27;
	v26 =	vmul.f32 v39, v26;
	v24 =	vmul.f32 v25, v24  }
0xa9: {  	v45 =	vadd.f32 $1.000000000e+00, v27;
	v48 =	vmul.f32 $1.192092900e-07, v35;
	v42 =	vadd.f32 $2.000000030e-01, v31  }
0xaa: {  	v22 =	vadd.s32 v22, v40;
	v36 =	vmul.f32 v26, v26;
	v20 =	vadd.f32 v24, v20  }
0xab: {  	(erf) = vrcp.f32 v45;
	v50 =	vadd.f32 $1.000000000e+00, v48;
	v46 =	vmul.f32 v42, v57  }
0xac: {  	v27 =	vadd.f32 $-1.000000000e+00, v27;
	v47 =	vmul.f32 $1.111111120e-01, v36;
	v49 =	vsub.f32 $0.0e+00, v20;
	v20 =	vld [tilespmem:$0x390]  }
0xad: {  	v51 =	vld [tilespmem:s2+$0x100];
	v22 =	vcvt.s32.f32 v22;
	v52 =	vmul.f32 $5.000000000e-01, v50;
	v24 =	vadd.f32 $3.333333430e-01, v46  }
0xae: {  	v26 =	vadd.f32 v26, v26;
	vm10 =	vgt.f32 v50, $1.414213540e+00;
	v25 =	vadd.f32 $1.428571490e-01, v47  }
0xaf: {  	v22 =	vmul.f32 $6.931471820e-01, v22;
	v31 =	vsel vm10, v52, v50;
	v24 =	vmul.f32 v24, v57  }
0xb0: {  	v25 =	vmul.f32 v25, v36;
	v37 =	vadd.f32 $1.000000000e+00, v31;
	v57 =	vsel vm15, $0xFFFFFF82, v17  }
0xb1: {  	v35 =	vmul.f32 v49, v34;
	v31 =	vadd.f32 $-1.000000000e+00, v31;
	v54 =	vand.u32 $0x7FFFFF, v20  }
0xb2: {  	v47 =	vld [tilespmem:s2+$0xE0];
	v49 =	vsel vm10, $0xFFFFFF82, v17;
	vm15 =	vgt.u32 v51, $0x1;
	v32 =	vcvt.s32.f32 v54  }
0xb3: {  	v18 =	vadd.s32 v18, v57;
	v21 =	vadd.s32 v21, v49;
	v24 =	vadd.f32 $1.000000000e+00, v24  }
0xb4: {  	v25 =	vadd.f32 $2.000000030e-01, v25;
	(erf) = vrcp.f32 v37;
	v39 =	vpop (erf);
	v32 =	vmul.f32 $1.192092900e-07, v32  }
0xb5: {  	v18 =	vcvt.s32.f32 v18;
	v23 =	vadd.f32 v35, v23;
	v27 =	vmul.f32 v39, v27  }
0xb6: {  	v21 =	vcvt.s32.f32 v21;
	v25 =	vmul.f32 v25, v36;
	v32 =	vadd.f32 $1.000000000e+00, v32  }
0xb7: {  	vm14 =	vgt.u32 v47, $0x1;
	v20 =	vshra.s32 v20, $0x17;
	v56 =	vmul.f32 v27, v27  }
0xb8: {  	v24 =	vmul.f32 v24, v28;
	v25 =	vadd.f32 $3.333333430e-01, v25;
	v58 =	vmul.f32 $5.000000000e-01, v32  }
0xb9: {  	v37 =	vld [tilespmem:$0x3A0];
	v28 =	vadd.f32 v55, v29;
	v59 =	vmul.f32 $1.111111120e-01, v56;
	vm12 =	vgt.f32 v32, $1.414213540e+00  }
0xba: {  	v19 =	vadd.f32 v24, v19;
	v25 =	vmul.f32 v25, v36;
	v32 =	vsel vm12, v58, v32  }
0xbb: {  	v18 =	vmul.f32 $6.931471820e-01, v18;
	v33 =	vadd.f32 $1.428571490e-01, v59;
	v36 =	vadd.f32 $1.000000000e+00, v32  }
0xbc: {  	v21 =	vmul.f32 $6.931471820e-01, v21;
	v27 =	vadd.f32 v27, v27;
	v25 =	vadd.f32 $1.000000000e+00, v25  }
0xbd: {  	v19 =	vsub.f32 $0.0e+00, v19;
	v60 =	vpop (erf);
	v33 =	vmul.f32 v33, v56;
	(erf) = vrcp.f32 v36  }
0xbe: {  	v49 =	vshra.s32 v37, $0x17;
	v25 =	vmul.f32 v25, v26;
	v61 =	vmul.f32 v60, v31  }
0xbf: {  	v19 =	vmul.f32 v19, v38;
	v62 =	vadd.f32 $2.000000030e-01, v33;
	v36 =	vand.u32 $0x7FFFFF, v37  }
0xc0: {  	v18 =	vadd.f32 v25, v18;
	v63 =	vmul.f32 v61, v61;
	v31 =	vcvt.s32.f32 v36  }
0xc1: {  	v19 =	vadd.f32 v19, v23;
	v26 =	vsel vm15, $0x3F800000, v16;
	v30 =	vmul.f32 v62, v56  }
0xc2: {  	v18 =	vsub.f32 $0.0e+00, v18;
	v39 =	vmul.f32 $1.111111120e-01, v63;
	v31 =	vmul.f32 $1.192092900e-07, v31  }
0xc3: {  	v53 =	vadd.f32 v61, v61;
	v61 =	vsel vm12, $0xFFFFFF82, v17;
	v30 =	vadd.f32 $3.333333430e-01, v30  }
0xc4: {  	v18 =	vmul.f32 v18, v55;
	v33 =	vadd.f32 $1.428571490e-01, v39;
	v31 =	vadd.f32 $1.000000000e+00, v31  }
0xc5: {  	v41 =	vadd.f32 $-1.000000000e+00, v32;
	v20 =	vadd.s32 v20, v61;
	v24 =	vmul.f32 v30, v56  }
0xc6: {  	v42 =	vmul.f32 v33, v63;
	v18 =	vadd.f32 v18, v19;
	v19 =	vld [tilespmem:$0x3B0];
	v44 =	vmul.f32 $5.000000000e-01, v31;
	v43 =	vpop (erf)  }
0xc7: {  	v20 =	vcvt.s32.f32 v20;
	vm13 =	vgt.f32 v31, $1.414213540e+00;
	v30 =	vmul.f32 v43, v41  }
0xc8: {  	v39 =	vld [tilespmem:s2+$0x120];
	v24 =	vadd.f32 $1.000000000e+00, v24;
	v23 =	vadd.f32 $2.000000030e-01, v42;
	v31 =	vsel vm13, v44, v31  }
0xc9: {  	v20 =	vmul.f32 $6.931471820e-01, v20;
	v46 =	vadd.f32 $1.000000000e+00, v31;
	v45 =	vmul.f32 v30, v30  }
0xca: {  	v55 =	vsel vm14, $0x3F800000, v16;
	v24 =	vmul.f32 v24, v27;
	v23 =	vmul.f32 v23, v63  }
0xcb: {  	v54 =	vand.u32 $0x7FFFFF, v19;
	(erf) = vrcp.f32 v46;
	v48 =	vmul.f32 $1.111111120e-01, v45  }
0xcc: {  	v41 =	vld [tilespmem:s2+$0x140];
	v22 =	vadd.f32 v24, v22;
	v23 =	vadd.f32 $3.333333430e-01, v23;
	v56 =	vcvt.s32.f32 v54  }
0xcd: {  	vm5 =	vgt.u32 v39, $0x1;
	v27 =	vadd.f32 v55, v28;
	v50 =	vadd.f32 $1.428571490e-01, v48  }
0xce: {  	v23 =	vmul.f32 v23, v63;
	v22 =	vsub.f32 $0.0e+00, v22;
	v25 =	vmul.f32 $1.192092900e-07, v56  }
0xcf: {  	v57 =	vadd.f32 $-1.000000000e+00, v31;
	v19 =	vshra.s32 v19, $0x17;
	v52 =	vmul.f32 v50, v45  }
0xd0: {  	v23 =	vadd.f32 $1.000000000e+00, v23;
	v22 =	vmul.f32 v22, v55;
	v60 =	vadd.f32 $1.000000000e+00, v25  }
0xd1: {  	v30 =	vadd.f32 v30, v30;
	vm6 =	vgt.u32 v41, $0x1;
	v24 =	vadd.f32 $2.000000030e-01, v52  }
0xd2: {  	v23 =	vmul.f32 v23, v53;
	v18 =	vadd.f32 v22, v18;
	v22 =	vld [tilespmem:$0x3C0];
	v38 =	vmul.f32 $5.000000000e-01, v60  }
0xd3: {  	v31 =	vsel vm6, $0x3F800000, v16;
	vm4 =	vgt.f32 v60, $1.414213540e+00;
	v24 =	vmul.f32 v24, v45  }
0xd4: {  	v55 =	vld [tilespmem:s2+$0x180];
	v21 =	vadd.f32 v23, v21;
	v23 =	vsel vm4, v38, v60;
	v60 =	vsel vm4, $0xFFFFFF82, v17;
	v59 =	vpop (erf)  }
0xd5: {  	v42 =	vadd.f32 $1.000000000e+00, v23;
	v58 =	vadd.f32 $3.333333430e-01, v24;
	v24 =	vmul.f32 v59, v57  }
0xd6: {  	v54 =	vadd.f32 $-1.000000000e+00, v23;
	v19 =	vadd.s32 v19, v60;
	v21 =	vsub.f32 $0.0e+00, v21  }
0xd7: {  	v23 =	vld [tilespmem:$0x3F0];
	v19 =	vcvt.s32.f32 v19;
	v44 =	vand.u32 $0x7FFFFF, v22;
	v63 =	vmul.f32 v24, v24  }
0xd8: {  	v50 =	vsel vm13, $0xFFFFFF82, v17;
	v21 =	vmul.f32 v21, v26;
	v33 =	vcvt.s32.f32 v44  }
0xd9: {  	vm9 =	vgt.u32 v55, $0x1;
	(erf) = vrcp.f32 v42;
	v40 =	vmul.f32 $1.111111120e-01, v63  }
0xda: {  	v22 =	vshra.s32 v22, $0x17;
	v28 =	vadd.f32 v21, v18;
	v18 =	vld [tilespmem:$0x3D0];
	v47 =	vmul.f32 $1.192092900e-07, v33  }
0xdb: {  	v26 =	vadd.f32 v26, v27;
	v62 =	vmul.f32 v58, v45;
	v45 =	vld [tilespmem:s2+$0x160];
	v43 =	vadd.f32 $1.428571490e-01, v40  }
0xdc: {  	v19 =	vmul.f32 $6.931471820e-01, v19;
	v41 =	vand.u32 $0x7FFFFF, v23;
	v48 =	vadd.f32 $1.000000000e+00, v47  }
0xdd: {  	v23 =	vshra.s32 v23, $0x17;
	v29 =	vadd.f32 $1.000000000e+00, v62;
	v46 =	vmul.f32 v43, v63  }
0xde: {  	v24 =	vadd.f32 v24, v24;
	v52 =	vmul.f32 $5.000000000e-01, v48;
	vm8 =	vgt.f32 v48, $1.414213540e+00  }
0xdf: {  	v29 =	vmul.f32 v29, v30;
	v30 =	vsel vm5, $0x3F800000, v16;
	v21 =	vadd.f32 $2.000000030e-01, v46  }
0xe0: {  	v53 =	vand.u32 $0x7FFFFF, v18;
	v18 =	vshra.s32 v18, $0x17;
	vm7 =	vgt.u32 v45, $0x1  }
0xe1: {  	v36 =	vcvt.s32.f32 v53;
	v35 =	vsel vm8, v52, v48;
	v51 =	vmul.f32 v21, v63;
	v21 =	vld [tilespmem:$0x3E0]  }
0xe2: {  	v26 =	vadd.f32 v30, v26;
	v20 =	vadd.f32 v29, v20;
	v37 =	vsel vm7, $0x3F800000, v16  }
0xe3: {  	v29 =	vadd.s32 v49, v50;
	v57 =	vadd.f32 $1.000000000e+00, v35;
	v35 =	vadd.f32 $-1.000000000e+00, v35  }
0xe4: {  	v36 =	vmul.f32 $1.192092900e-07, v36;
	v29 =	vcvt.s32.f32 v29;
	v26 =	vadd.f32 v31, v26  }
0xe5: {  	v32 =	vsub.f32 $0.0e+00, v20;
	(erf) = vrcp.f32 v57;
	v46 =	vsel vm8, $0xFFFFFF82, v17  }
0xe6: {  	v59 =	vadd.f32 $1.000000000e+00, v36;
	v34 =	vadd.f32 $3.333333430e-01, v51;
	v58 =	vand.u32 $0x7FFFFF, v21  }
0xe7: {  	v29 =	vmul.f32 $6.931471820e-01, v29;
	v22 =	vadd.s32 v22, v46;
	v20 =	vcvt.s32.f32 v58  }
0xe8: {  	v26 =	vadd.f32 v37, v26;
	v61 =	vmul.f32 $5.000000000e-01, v59;
	v25 =	vmul.f32 v34, v63  }
0xe9: {  	v56 =	vpop (erf);
	vm10 =	vgt.f32 v59, $1.414213540e+00;
	v63 =	vcvt.s32.f32 v41;
	v40 =	vmul.f32 $1.192092900e-07, v20  }
0xea: {  	v32 =	vmul.f32 v32, v30;
	v33 =	vsel vm10, v61, v59;
	v34 =	vmul.f32 v56, v54  }
0xeb: {  	v42 =	vadd.f32 $1.000000000e+00, v33;
	v62 =	vadd.f32 $1.000000000e+00, v40;
	v40 =	vmul.f32 $1.192092900e-07, v63  }
0xec: {  	v22 =	vcvt.s32.f32 v22;
	v28 =	vadd.f32 v32, v28;
	v38 =	vmul.f32 v34, v34  }
0xed: {  	(erf) = vrcp.f32 v42;
	v43 =	vmul.f32 $5.000000000e-01, v62;
	v40 =	vadd.f32 $1.000000000e+00, v40  }
0xee: {  	v22 =	vmul.f32 $6.931471820e-01, v22;
	v25 =	vadd.f32 $1.000000000e+00, v25;
	vm11 =	vgt.f32 v62, $1.414213540e+00  }
0xef: {  	v45 =	vmul.f32 $1.111111120e-01, v38;
	v39 =	vsel vm11, v43, v62;
	v48 =	vmul.f32 $5.000000000e-01, v40  }
0xf0: {  	v47 =	vpop (erf);
	v24 =	vmul.f32 v25, v24;
	vm12 =	vgt.f32 v40, $1.414213540e+00;
	v43 =	vadd.f32 $1.000000000e+00, v39  }
0xf1: {  	v25 =	vmul.f32 v47, v35;
	v41 =	vadd.f32 $1.428571490e-01, v45;
	v35 =	vsel vm12, v48, v40  }
0xf2: {  	v33 =	vadd.f32 $-1.000000000e+00, v33;
	(erf) = vrcp.f32 v43;
	v40 =	vadd.f32 $1.000000000e+00, v35  }
0xf3: {  	v34 =	vadd.f32 v34, v34;
	v47 =	vld [tilespmem:s2+$0x1A0];
	v50 =	vmul.f32 v25, v25;
	v49 =	vmul.f32 v41, v38  }
0xf4: {  	v20 =	vsel vm9, $0x3F800000, v16;
	v24 =	vadd.f32 v24, v29;
	(erf) = vrcp.f32 v40  }
0xf5: {  	v26 =	vadd.f32 v20, v26;
	v51 =	vmul.f32 $1.111111120e-01, v50;
	v29 =	vadd.f32 $2.000000030e-01, v49  }
0xf6: {  	v21 =	vshra.s32 v21, $0x17;
	v25 =	vadd.f32 v25, v25;
	v24 =	vsub.f32 $0.0e+00, v24;
	v52 =	vpop (erf)  }
0xf7: {  	v53 =	vadd.f32 $1.428571490e-01, v51;
	v29 =	vmul.f32 v29, v38;
	v54 =	vmul.f32 v52, v33  }
0xf8: {  	vm13 =	vgt.u32 v47, $0x1;
	v24 =	vmul.f32 v24, v31;
	v51 =	vsel vm11, $0xFFFFFF82, v17  }
0xf9: {  	v56 =	vmul.f32 v53, v50;
	v55 =	vadd.f32 $3.333333430e-01, v29;
	v57 =	vmul.f32 v54, v54  }
0xfa: {  	v58 =	vadd.f32 $-1.000000000e+00, v39;
	v21 =	vadd.s32 v21, v51;
	v24 =	vadd.f32 v24, v28  }
0xfb: {  	v29 =	vadd.f32 $2.000000030e-01, v56;
	v28 =	vmul.f32 v55, v38;
	v60 =	vmul.f32 $1.111111120e-01, v57;
	v59 =	vpop (erf)  }
0xfc: {  	v21 =	vcvt.s32.f32 v21;
	v62 =	vadd.f32 $-1.000000000e+00, v35;
	v33 =	vmul.f32 v59, v58  }
0xfd: {  	v29 =	vmul.f32 v29, v50;
	v28 =	vadd.f32 $1.000000000e+00, v28;
	v31 =	vadd.f32 $1.428571490e-01, v60;
	v40 =	vpop (erf)  }
0xfe: {  	v53 =	vsel vm12, $0xFFFFFF82, v17;
	v61 =	vmul.f32 v33, v33;
	v41 =	vmul.f32 v40, v62  }
0xff: {  	v29 =	vadd.f32 $3.333333430e-01, v29;
	v28 =	vmul.f32 v28, v34;
	v31 =	vmul.f32 v31, v57  }
0x100: {  	v43 =	vsel vm10, $0xFFFFFF82, v17;
	v63 =	vmul.f32 $1.111111120e-01, v61;
	v34 =	vmul.f32 v41, v41  }
0x101: {  	v23 =	vadd.s32 v23, v53;
	v52 =	vadd.f32 v54, v54;
	v27 =	vmul.f32 v29, v50  }
0x102: {  	v44 =	vadd.f32 $2.000000030e-01, v31;
	v45 =	vadd.f32 $1.428571490e-01, v63;
	v46 =	vmul.f32 $1.111111120e-01, v34  }
0x103: {  	v18 =	vadd.s32 v18, v43;
	v21 =	vmul.f32 $6.931471820e-01, v21;
	v27 =	vadd.f32 $1.000000000e+00, v27  }
0x104: {  	v29 =	vmul.f32 v44, v57;
	v31 =	vmul.f32 v45, v61;
	v35 =	vadd.f32 $1.428571490e-01, v46  }
0x105: {  	v23 =	vcvt.s32.f32 v23;
	v19 =	vadd.f32 v28, v19;
	v25 =	vmul.f32 v27, v25  }
0x106: {  	v55 =	vld [tilespmem:s2+$0x1C0];
	v29 =	vadd.f32 $3.333333430e-01, v29;
	v31 =	vadd.f32 $2.000000030e-01, v31;
	v50 =	vmul.f32 v35, v34  }
0x107: {  	v18 =	vcvt.s32.f32 v18;
	v19 =	vsub.f32 $0.0e+00, v19;
	v22 =	vadd.f32 v25, v22  }
0x108: {  	v48 =	vmul.f32 v29, v57;
	v57 =	vld [tilespmem:s2+$0x1E0];
	v49 =	vmul.f32 v31, v61;
	v25 =	vadd.f32 $2.000000030e-01, v50  }
0x109: {  	v18 =	vmul.f32 $6.931471820e-01, v18;
	v58 =	vsel vm13, $0x3F800000, v16;
	v19 =	vmul.f32 v19, v37  }
0x10a: {  	v26 =	vadd.f32 v58, v26;
	v29 =	vadd.f32 $3.333333430e-01, v49;
	v25 =	vmul.f32 v25, v34  }
0x10b: {  	vm14 =	vgt.u32 v55, $0x1;
	v19 =	vadd.f32 v19, v24;
	v24 =	vadd.f32 $1.000000000e+00, v48  }
0x10c: {  	v56 =	vadd.f32 v33, v33;
	v54 =	vmul.f32 v29, v61;
	v25 =	vadd.f32 $3.333333430e-01, v25  }
0x10d: {  	v28 =	vadd.f32 v41, v41;
	v24 =	vmul.f32 v24, v52;
	vm15 =	vgt.u32 v57, $0x1  }
0x10e: {  	v29 =	vsel vm14, $0x3F800000, v16;
	v27 =	vadd.f32 $1.000000000e+00, v54;
	v25 =	vmul.f32 v25, v34  }
0x10f: {  	v22 =	vsub.f32 $0.0e+00, v22;
	v30 =	vsel vm15, $0x3F800000, v16;
	v26 =	vadd.f32 v29, v26  }
0x110: {  	v18 =	vadd.f32 v24, v18;
	v27 =	vmul.f32 v27, v56;
	v25 =	vadd.f32 $1.000000000e+00, v25  }
0x111: {  	v23 =	vmul.f32 $6.931471820e-01, v23;
	v20 =	vmul.f32 v22, v20;
	v59 =	vadd.f32 v30, v26  }
0x112: {  	v18 =	vsub.f32 $0.0e+00, v18;
	v21 =	vadd.f32 v27, v21;
	v60 =	vmul.f32 v25, v28  }
0x113: {  	v19 =	vadd.f32 v20, v19;
	(erf) = vrcp.f32 v59  }
0x114: {  	v18 =	vmul.f32 v18, v58;
	v61 =	vsub.f32 $0.0e+00, v21;
	v62 =	vadd.f32 v60, v23;
	_ =	sdelay $0x1  }
0x115: {  	v18 =	vadd.f32 v18, v19;
	v19 =	vmul.f32 v61, v29;
	v63 =	vsub.f32 $0.0e+00, v62;
	_ =	sdelay $0x1  }
0x116: {  	v18 =	vadd.f32 v19, v18;
	v19 =	vmul.f32 v63, v30;
	_ =	sdelay $0x2  }
0x117: {  	v18 =	vadd.f32 v19, v18  }
0x118: {  	v19 =	vpop (erf)  }
0x119: {  	v18 =	vmul.f32 v18, v19  }
0x11a: {  	p1 =	sne.s32 s6, $0x1  }
.Ltmp1:
0x11b: {  	[tilespmem:$0x400] =	vst v18;
	(pc) =	sbr.rel @p1 .LBB2_2-.Ltmp1, $4  }
0x11c: {  	[hbm4b:s5+s1] =	stream.linear.scatter [tilespmem:s14], [sflag:$0x2], $0x10, $0x38;
	[tilespmem:$0x480] =	vst v63  }
0x11d: {  	_ =	swait.ge [sflag:s7], $0x10  }
0x11e: {  	[sflag:s7] =	ssyncset.done $0x0  }
0x11f: {  	s6 =	sadd.s32 $0xFFFFFFFF, s6;
	[sflag:s7] =	ssyncadd.s32 $0xFFFFFFF0  }
.LBB2_3:
0x120: {  	_ =	sfence.sel $0x180000  }
0x121: {  	[bflag:$0x0] =	sbarrier.arrive $0xFFFF  }
0x122: {  	_ =	strace $0x90000047  }
0x123: {  	s0 =	sadd.s32 @!p0 $0x100000, s0;
	[bflag:$0x2] =	sbarrier.arrive $0xFFFF  }
0x124: {  	[sflag:s0] =	ssyncadd.tile.s32 @!p0 $0x1;
	_ =	shalt  }
.Lfunc_end2:
_tile_overlayer_lowered:
.L_overlay_start_2:
0x125: {  	(tag) =	ssettag $0x2  }
0x126: {  	s0 =	rddreg [dreg:$0x0];
	s2 =	stileid.u32  }
0x127: {  	s1 =	rddreg [dreg:$0x1];
	p0 =	sne.s32 s2, $0x0  }
0x128: {  	s3 =	rddreg [dreg:$0x2];
	[bflag:$0x3] =	sbarrier.arrive $0xFFFF;
	s2 =	simm.s32 @!p0 $0x1C02  }
0x129: {  	[timem:s3], [sflag:s2] =	dma.local @!p0 [hbm:s0], s1  }
0x12a: {  	s0 =	simm.s32 @!p0 $0x2  }
0x12b: {  	_ =	swait.ge @!p0 [sflag:s0], s1  }
0x12c: {  	s1 =	ssub.s32 @!p0 $0x0, s1;
	[sflag:s0] =	ssyncset.done @!p0 $0x0  }
0x12d: {  	[sflag:s0] =	ssyncadd.s32 @!p0 s1  }
0x12e: {  	[bflag:$0x3] =	sbarrier.arrive $0xFFFF  }
0x12f: {  	_ =	shalt  }

</sc_bundles>
